<compile_context>
chip_gen: v7x
topology: tpu7x:2x2x1
jax: 0.10.2.dev20260603
libtpu: 0.0.44.dev20260713+nightly
codegen_flags: <defaults>
</compile_context>

<pallas_src>
import jax
import jax.numpy as jnp
from jax import lax
from jax.experimental import pallas as pl
from jax.experimental.pallas import tpu as pltpu
from jax.experimental.pallas import tpu_sc as plsc

_B, _N, _K = 16, 20000, 300
_THR = 0.5
_L = 16
_U = 4
_CAP = _N + _L * _U
_NEG = -jnp.inf
_BIG = 2**31 - 1


def _nms_body(s_hbm, l_hbm, t_hbm, r_hbm, b_hbm, out_hbm,
              s_v, l_v, t_v, r_v, b_v, out_v):
    nc = 2
    wid = lax.axis_index("s") * nc + lax.axis_index("c")

    @pl.when(wid < _B)
    def _():
        base = wid * _N
        pltpu.sync_copy(s_hbm.at[pl.ds(base, _N)], s_v.at[pl.ds(0, _N)])
        pltpu.sync_copy(l_hbm.at[pl.ds(base, _N)], l_v.at[pl.ds(0, _N)])
        pltpu.sync_copy(t_hbm.at[pl.ds(base, _N)], t_v.at[pl.ds(0, _N)])
        pltpu.sync_copy(r_hbm.at[pl.ds(base, _N)], r_v.at[pl.ds(0, _N)])
        pltpu.sync_copy(b_hbm.at[pl.ds(base, _N)], b_v.at[pl.ds(0, _N)])
        for j in range(_U):
            s_v[pl.ds(_N + j * _L, _L)] = jnp.full((_L,), _NEG, jnp.float32)

        def zero(i, _):
            out_v[pl.ds(i * _L, _L)] = jnp.zeros((_L,), jnp.float32)
            return 0

        lax.fori_loop(0, (_K * 4) // _L, zero, 0)

        lane = lax.iota(jnp.int32, _L)

        @plsc.parallel_loop(0, _N // _L, unroll=4,
                            carry=(jnp.full((_L,), _NEG, jnp.float32),
                                   jnp.zeros((_L,), jnp.int32)))
        def amax(v, carry):
            mv, mi = carry
            x = s_v[pl.ds(v * _L, _L)]
            upd = x > mv
            return jnp.where(upd, x, mv), jnp.where(upd, v, mi)

        mv0, mi0 = amax
        gmax0 = jnp.max(mv0)
        idx0 = jnp.min(jnp.where(mv0 == gmax0, mi0 * _L + lane, _BIG))

        def winner_prologue(k, idx, n):
            idx = jnp.minimum(idx, _N - 1)
            alive = n > 0
            idxv = jnp.full((_L,), idx, jnp.int32)
            wl = plsc.load_gather(l_v, [idxv])
            wt = plsc.load_gather(t_v, [idxv])
            wr = plsc.load_gather(r_v, [idxv])
            wb = plsc.load_gather(b_v, [idxv])

            box = jnp.where(lane == 0, wl,
                            jnp.where(lane == 1, wt,
                                      jnp.where(lane == 2, wr, wb)))
            plsc.store_scatter(out_v, [jnp.full((_L,), 4 * k, jnp.int32) + lane],
                               box, mask=(lane < 4) & alive)
            plsc.store_scatter(s_v, [idxv],
                               jnp.full((_L,), _NEG, jnp.float32),
                               mask=lane == 0)
            return wl, wt, wr, wb

        def overlap_mask(wl, wt, wr, wb, xl, xt, xr, xb):
            ll = jnp.maximum(wl, xl)
            tt = jnp.maximum(wt, xt)
            rr = jnp.minimum(wr, xr)
            bb = jnp.minimum(wb, xb)
            area = (xr - xl) * (xb - xt)
            ov = jnp.maximum(0.0, rr - ll) * jnp.maximum(0.0, tt - bb) / area
            return ov < _THR

        def step1(k, carry):
            idx, n = carry
            nvec = (n + _L - 1) >> 4
            wl, wt, wr, wb = winner_prologue(k, idx, n)

            @plsc.parallel_loop(0, nvec, unroll=2,
                                carry=(jnp.int32(0),
                                       jnp.full((_L,), _NEG, jnp.float32),
                                       jnp.full((_L,), _BIG, jnp.int32)))
            def sweep(v, carry):
                off, mv, mgi = carry
                base = v * _L
                xs = s_v[pl.ds(base, _L)]
                xl = l_v[pl.ds(base, _L)]
                xt = t_v[pl.ds(base, _L)]
                xr = r_v[pl.ds(base, _L)]
                xb = b_v[pl.ds(base, _L)]
                keep = (overlap_mask(wl, wt, wr, wb, xl, xt, xr, xb)
                        & (xs != _NEG))
                plsc.store_compressed(s_v.at[pl.ds(off, _L)], xs, mask=keep)
                plsc.store_compressed(l_v.at[pl.ds(off, _L)], xl, mask=keep)
                plsc.store_compressed(t_v.at[pl.ds(off, _L)], xt, mask=keep)
                plsc.store_compressed(r_v.at[pl.ds(off, _L)], xr, mask=keep)
                plsc.store_compressed(b_v.at[pl.ds(off, _L)], xb, mask=keep)
                pos = off + plsc.cumsum(keep.astype(jnp.int32)) - 1
                upd = keep & (xs > mv)
                mv = jnp.where(upd, xs, mv)
                mgi = jnp.where(upd, pos, mgi)
                off = off + plsc.all_reduce_population_count(keep)[0]
                return off, mv, mgi

            n_new, mv, mgi = sweep
            s_v[pl.ds(n_new, _L)] = jnp.full((_L,), _NEG, jnp.float32)
            gmax = jnp.max(mv)
            nidx = jnp.min(jnp.where(mv == gmax, mgi, _BIG))
            return nidx, n_new

        def step2(k, carry):
            idx, n = carry
            nvec = (n + _L - 1) >> 4
            wl, wt, wr, wb = winner_prologue(k, idx, n)

            @plsc.parallel_loop(0, nvec, unroll=4,
                                carry=(jnp.full((_L,), _NEG, jnp.float32),
                                       jnp.full((_L,), _BIG, jnp.int32)))
            def sweep(v, carry):
                mv, mgi = carry
                base = v * _L
                xs = s_v[pl.ds(base, _L)]
                xl = l_v[pl.ds(base, _L)]
                xt = t_v[pl.ds(base, _L)]
                xr = r_v[pl.ds(base, _L)]
                xb = b_v[pl.ds(base, _L)]
                xs2 = jnp.where(
                    overlap_mask(wl, wt, wr, wb, xl, xt, xr, xb),
                    xs, _NEG)
                s_v[pl.ds(base, _L)] = xs2
                upd = xs2 > mv
                mv = jnp.where(upd, xs2, mv)
                mgi = jnp.where(upd, base + lane, mgi)
                return mv, mgi

            mv, mgi = sweep
            gmax = jnp.max(mv)
            nidx = jnp.min(jnp.where(mv == gmax, mgi, _BIG))
            n_new = jnp.where(gmax > _NEG, n, 0)
            return nidx, n_new

        _K1 = 80
        c = lax.fori_loop(0, _K1, step1, (idx0, jnp.int32(_N)))
        lax.fori_loop(_K1, _K, step2, c)
        pltpu.sync_copy(out_v, out_hbm.at[pl.ds(wid * (_K * 4), _K * 4)])


def kernel(input):
    cols = jnp.moveaxis(input, -1, 0).reshape(5, _B * _N)
    s, l, t, r, b = (cols[i] for i in range(5))
    mesh = plsc.VectorSubcoreMesh(core_axis_name="c", subcore_axis_name="s",
                                  num_cores=2, num_subcores=16)
    fn = pl.kernel(
        _nms_body,
        out_type=jax.ShapeDtypeStruct((_B * _K * 4,), jnp.float32),
        mesh=mesh,
        compiler_params=pltpu.CompilerParams(needs_layout_passes=False),
        scratch_types=[
            pltpu.VMEM((_CAP,), jnp.float32),
            pltpu.VMEM((_CAP,), jnp.float32),
            pltpu.VMEM((_CAP,), jnp.float32),
            pltpu.VMEM((_CAP,), jnp.float32),
            pltpu.VMEM((_CAP,), jnp.float32),
            pltpu.VMEM((_K * 4,), jnp.float32),
        ],
    )
    out = fn(s, l, t, r, b)
    return out.reshape(_B, _K, 4)

# --- scband reference (transcript-rebuilt; emitter-appended) ---
"""Pipeline reference for scband-non-maximum-suppression-10728828305832 (READ-ONLY COPY).

The authoritative reference and input builder live on the scoring server;
editing this copy changes nothing except your own understanding.
"""

import jax, jax.numpy as jnp
import numpy as np

B, N, K = 16, 20000, 300
THR = 0.5

def setup_inputs(seed: int = 0) -> dict:
    key = jax.random.key(seed)
    k1, k2, k3 = jax.random.split(key, 3)
    scores = jax.random.uniform(k1, (B, N, 1), dtype=jnp.float32)
    lt = jax.random.uniform(k2, (B, N, 2), dtype=jnp.float32, minval=0.0, maxval=480.0)
    wh = jax.random.uniform(k3, (B, N, 2), dtype=jnp.float32, minval=1.0, maxval=64.0)
    # columns: [score, left, top, right, bottom]
    pred = jnp.concatenate([scores, lt, lt + wh], axis=-1)
    return {"input": pred}

def reference(input):
    def nms_single(pred):
        scores = pred[:, 0]
        l = pred[:, 1]
        t = pred[:, 2]
        r = pred[:, 3]
        b = pred[:, 4]
        areas = (r - l) * (b - t)
        n = scores.shape[0]

        def step(valid, _):
            masked = jnp.where(valid, scores, -jnp.inf)
            idx = jnp.argmax(masked)  # highest remaining score (orig: last of ascending argsort)
            any_valid = jnp.any(valid)
            # faithful to original (including its unusual top/bottom overlap formula)
            L = jnp.maximum(l[idx], l)
            T = jnp.maximum(t[idx], t)
            R = jnp.minimum(r[idx], r)
            Bm = jnp.minimum(b[idx], b)
            overlap = jnp.maximum(0.0, R - L) * jnp.maximum(0.0, T - Bm) / areas
            keep = overlap < THR
            new_valid = valid & keep
            new_valid = new_valid.at[idx].set(False)
            box = jnp.where(any_valid, pred[idx, 1:5], jnp.zeros(4, dtype=pred.dtype))
            return new_valid, box

        valid0 = jnp.ones((n,), dtype=bool)
        _, boxes = jax.lax.scan(step, valid0, None, length=K)
        return boxes  # [K, 4]

    return jax.vmap(nms_single)(input)  # [B, K, 4]

if __name__ == "__main__":
    import jax
    _d = setup_inputs()
    print(jax.jit(kernel)(*tuple(_d.values())))

</pallas_src>

<mosaic_0001>
#map = affine_map<(d0, d1) -> (0)>
module attributes {stable_mosaic.version = 14 : i64} {
  func.func @_nms_body(%arg0: i32, %arg1: i32, %arg2: memref<320000xf32, #tpu.memory_space<hbm>>, %arg3: memref<320000xf32, #tpu.memory_space<hbm>>, %arg4: memref<320000xf32, #tpu.memory_space<hbm>>, %arg5: memref<320000xf32, #tpu.memory_space<hbm>>, %arg6: memref<320000xf32, #tpu.memory_space<hbm>>, %arg7: memref<19200xf32, #tpu.memory_space<hbm>>, %arg8: memref<20064xf32, #tpu.memory_space<vmem>>, %arg9: memref<20064xf32, #tpu.memory_space<vmem>>, %arg10: memref<20064xf32, #tpu.memory_space<vmem>>, %arg11: memref<20064xf32, #tpu.memory_space<vmem>>, %arg12: memref<20064xf32, #tpu.memory_space<vmem>>, %arg13: memref<1200xf32, #tpu.memory_space<vmem>>) attributes {dimension_semantics = [#tpu.dimension_semantics<core_parallel>, #tpu.dimension_semantics<subcore_parallel>], iteration_bounds = array<i64: 2, 16>, scalar_prefetch = 0 : i64, scratch_operands = 6 : i64, tpu.core_type = #tpu.core_type<sc_vector_subcore>, window_params = [{transform_indices = #map}, {transform_indices = #map}, {transform_indices = #map}, {transform_indices = #map}, {transform_indices = #map}, {transform_indices = #map}]} {
    %mul3A = arith.constant 2 : i32
    %mul3A_0 = arith.muli %arg1, %mul3A : i32
    %add3A = arith.addi %mul3A_0, %arg0 : i32
    %lt3A = arith.constant 16 : i32
    %lt3A_1 = arith.cmpi slt, %add3A, %lt3A : i32
    %convert_element_type3A = arith.extui %lt3A_1 : i1 to i32
    %cond3A = arith.constant 0 : i32
    %cond3A_2 = arith.cmpi ne, %convert_element_type3A, %cond3A : i32
    scf.if %cond3A_2 {
      %mul3A_3 = arith.constant 20000 : i32
      %mul3A_4 = arith.muli %add3A, %mul3A_3 : i32
      "tpu.region"() ({
        %run_scoped3A = tpu.sem_alloc : memref<!tpu.dma_semaphore, #tpu.memory_space<semaphore_mem>>
        %dma_start3A = arith.constant 0 : i32
        %dma_start3A_63 = tpu.memref_slice %arg8[%dma_start3A] : memref<20064xf32, #tpu.memory_space<vmem>> -> memref<20000xf32, #tpu.memory_space<vmem>>
        %dma_start3A_64 = tpu.memref_slice %arg2[%mul3A_4] : memref<320000xf32, #tpu.memory_space<hbm>> -> memref<20000xf32, #tpu.memory_space<hbm>>
        %dma_start3A_65 = arith.constant 0 : i32
        %dma_start3A_66 = tpu.memref_slice %arg8[%dma_start3A_65] : memref<20064xf32, #tpu.memory_space<vmem>> -> memref<20000xf32, #tpu.memory_space<vmem>>
        %dma_start3A_67 = tpu.memref_slice %arg2[%mul3A_4] : memref<320000xf32, #tpu.memory_space<hbm>> -> memref<20000xf32, #tpu.memory_space<hbm>>
        tpu.enqueue_dma source(%dma_start3A_67 : memref<20000xf32, #tpu.memory_space<hbm>>) target(%dma_start3A_66 : memref<20000xf32, #tpu.memory_space<vmem>>) target_semaphore(%run_scoped3A : memref<!tpu.dma_semaphore, #tpu.memory_space<semaphore_mem>>)
        %dma_wait3A = arith.constant 0 : i32
        %dma_wait3A_68 = tpu.memref_slice %arg8[%dma_wait3A] : memref<20064xf32, #tpu.memory_space<vmem>> -> memref<20000xf32, #tpu.memory_space<vmem>>
        %dma_wait3A_69 = tpu.memref_slice %arg2[%mul3A_4] : memref<320000xf32, #tpu.memory_space<hbm>> -> memref<20000xf32, #tpu.memory_space<hbm>>
        %dma_wait3A_70 = arith.constant 0 : i32
        %dma_wait3A_71 = tpu.memref_slice %arg8[%dma_wait3A_70] : memref<20064xf32, #tpu.memory_space<vmem>> -> memref<20000xf32, #tpu.memory_space<vmem>>
        %dma_wait3A_72 = tpu.memref_slice %arg2[%mul3A_4] : memref<320000xf32, #tpu.memory_space<hbm>> -> memref<20000xf32, #tpu.memory_space<hbm>>
        tpu.wait_dma2 semaphore(%run_scoped3A : memref<!tpu.dma_semaphore, #tpu.memory_space<semaphore_mem>>) src(%dma_wait3A_72 : memref<20000xf32, #tpu.memory_space<hbm>>) dst(%dma_wait3A_71 : memref<20000xf32, #tpu.memory_space<vmem>>)
        tpu.yield
      }) : () -> ()
      "tpu.region"() ({
        %run_scoped3A = tpu.sem_alloc : memref<!tpu.dma_semaphore, #tpu.memory_space<semaphore_mem>>
        %dma_start3A = arith.constant 0 : i32
        %dma_start3A_63 = tpu.memref_slice %arg9[%dma_start3A] : memref<20064xf32, #tpu.memory_space<vmem>> -> memref<20000xf32, #tpu.memory_space<vmem>>
        %dma_start3A_64 = tpu.memref_slice %arg3[%mul3A_4] : memref<320000xf32, #tpu.memory_space<hbm>> -> memref<20000xf32, #tpu.memory_space<hbm>>
        %dma_start3A_65 = arith.constant 0 : i32
        %dma_start3A_66 = tpu.memref_slice %arg9[%dma_start3A_65] : memref<20064xf32, #tpu.memory_space<vmem>> -> memref<20000xf32, #tpu.memory_space<vmem>>
        %dma_start3A_67 = tpu.memref_slice %arg3[%mul3A_4] : memref<320000xf32, #tpu.memory_space<hbm>> -> memref<20000xf32, #tpu.memory_space<hbm>>
        tpu.enqueue_dma source(%dma_start3A_67 : memref<20000xf32, #tpu.memory_space<hbm>>) target(%dma_start3A_66 : memref<20000xf32, #tpu.memory_space<vmem>>) target_semaphore(%run_scoped3A : memref<!tpu.dma_semaphore, #tpu.memory_space<semaphore_mem>>)
        %dma_wait3A = arith.constant 0 : i32
        %dma_wait3A_68 = tpu.memref_slice %arg9[%dma_wait3A] : memref<20064xf32, #tpu.memory_space<vmem>> -> memref<20000xf32, #tpu.memory_space<vmem>>
        %dma_wait3A_69 = tpu.memref_slice %arg3[%mul3A_4] : memref<320000xf32, #tpu.memory_space<hbm>> -> memref<20000xf32, #tpu.memory_space<hbm>>
        %dma_wait3A_70 = arith.constant 0 : i32
        %dma_wait3A_71 = tpu.memref_slice %arg9[%dma_wait3A_70] : memref<20064xf32, #tpu.memory_space<vmem>> -> memref<20000xf32, #tpu.memory_space<vmem>>
        %dma_wait3A_72 = tpu.memref_slice %arg3[%mul3A_4] : memref<320000xf32, #tpu.memory_space<hbm>> -> memref<20000xf32, #tpu.memory_space<hbm>>
        tpu.wait_dma2 semaphore(%run_scoped3A : memref<!tpu.dma_semaphore, #tpu.memory_space<semaphore_mem>>) src(%dma_wait3A_72 : memref<20000xf32, #tpu.memory_space<hbm>>) dst(%dma_wait3A_71 : memref<20000xf32, #tpu.memory_space<vmem>>)
        tpu.yield
      }) : () -> ()
      "tpu.region"() ({
        %run_scoped3A = tpu.sem_alloc : memref<!tpu.dma_semaphore, #tpu.memory_space<semaphore_mem>>
        %dma_start3A = arith.constant 0 : i32
        %dma_start3A_63 = tpu.memref_slice %arg10[%dma_start3A] : memref<20064xf32, #tpu.memory_space<vmem>> -> memref<20000xf32, #tpu.memory_space<vmem>>
        %dma_start3A_64 = tpu.memref_slice %arg4[%mul3A_4] : memref<320000xf32, #tpu.memory_space<hbm>> -> memref<20000xf32, #tpu.memory_space<hbm>>
        %dma_start3A_65 = arith.constant 0 : i32
        %dma_start3A_66 = tpu.memref_slice %arg10[%dma_start3A_65] : memref<20064xf32, #tpu.memory_space<vmem>> -> memref<20000xf32, #tpu.memory_space<vmem>>
        %dma_start3A_67 = tpu.memref_slice %arg4[%mul3A_4] : memref<320000xf32, #tpu.memory_space<hbm>> -> memref<20000xf32, #tpu.memory_space<hbm>>
        tpu.enqueue_dma source(%dma_start3A_67 : memref<20000xf32, #tpu.memory_space<hbm>>) target(%dma_start3A_66 : memref<20000xf32, #tpu.memory_space<vmem>>) target_semaphore(%run_scoped3A : memref<!tpu.dma_semaphore, #tpu.memory_space<semaphore_mem>>)
        %dma_wait3A = arith.constant 0 : i32
        %dma_wait3A_68 = tpu.memref_slice %arg10[%dma_wait3A] : memref<20064xf32, #tpu.memory_space<vmem>> -> memref<20000xf32, #tpu.memory_space<vmem>>
        %dma_wait3A_69 = tpu.memref_slice %arg4[%mul3A_4] : memref<320000xf32, #tpu.memory_space<hbm>> -> memref<20000xf32, #tpu.memory_space<hbm>>
        %dma_wait3A_70 = arith.constant 0 : i32
        %dma_wait3A_71 = tpu.memref_slice %arg10[%dma_wait3A_70] : memref<20064xf32, #tpu.memory_space<vmem>> -> memref<20000xf32, #tpu.memory_space<vmem>>
        %dma_wait3A_72 = tpu.memref_slice %arg4[%mul3A_4] : memref<320000xf32, #tpu.memory_space<hbm>> -> memref<20000xf32, #tpu.memory_space<hbm>>
        tpu.wait_dma2 semaphore(%run_scoped3A : memref<!tpu.dma_semaphore, #tpu.memory_space<semaphore_mem>>) src(%dma_wait3A_72 : memref<20000xf32, #tpu.memory_space<hbm>>) dst(%dma_wait3A_71 : memref<20000xf32, #tpu.memory_space<vmem>>)
        tpu.yield
      }) : () -> ()
      "tpu.region"() ({
        %run_scoped3A = tpu.sem_alloc : memref<!tpu.dma_semaphore, #tpu.memory_space<semaphore_mem>>
        %dma_start3A = arith.constant 0 : i32
        %dma_start3A_63 = tpu.memref_slice %arg11[%dma_start3A] : memref<20064xf32, #tpu.memory_space<vmem>> -> memref<20000xf32, #tpu.memory_space<vmem>>
        %dma_start3A_64 = tpu.memref_slice %arg5[%mul3A_4] : memref<320000xf32, #tpu.memory_space<hbm>> -> memref<20000xf32, #tpu.memory_space<hbm>>
        %dma_start3A_65 = arith.constant 0 : i32
        %dma_start3A_66 = tpu.memref_slice %arg11[%dma_start3A_65] : memref<20064xf32, #tpu.memory_space<vmem>> -> memref<20000xf32, #tpu.memory_space<vmem>>
        %dma_start3A_67 = tpu.memref_slice %arg5[%mul3A_4] : memref<320000xf32, #tpu.memory_space<hbm>> -> memref<20000xf32, #tpu.memory_space<hbm>>
        tpu.enqueue_dma source(%dma_start3A_67 : memref<20000xf32, #tpu.memory_space<hbm>>) target(%dma_start3A_66 : memref<20000xf32, #tpu.memory_space<vmem>>) target_semaphore(%run_scoped3A : memref<!tpu.dma_semaphore, #tpu.memory_space<semaphore_mem>>)
        %dma_wait3A = arith.constant 0 : i32
        %dma_wait3A_68 = tpu.memref_slice %arg11[%dma_wait3A] : memref<20064xf32, #tpu.memory_space<vmem>> -> memref<20000xf32, #tpu.memory_space<vmem>>
        %dma_wait3A_69 = tpu.memref_slice %arg5[%mul3A_4] : memref<320000xf32, #tpu.memory_space<hbm>> -> memref<20000xf32, #tpu.memory_space<hbm>>
        %dma_wait3A_70 = arith.constant 0 : i32
        %dma_wait3A_71 = tpu.memref_slice %arg11[%dma_wait3A_70] : memref<20064xf32, #tpu.memory_space<vmem>> -> memref<20000xf32, #tpu.memory_space<vmem>>
        %dma_wait3A_72 = tpu.memref_slice %arg5[%mul3A_4] : memref<320000xf32, #tpu.memory_space<hbm>> -> memref<20000xf32, #tpu.memory_space<hbm>>
        tpu.wait_dma2 semaphore(%run_scoped3A : memref<!tpu.dma_semaphore, #tpu.memory_space<semaphore_mem>>) src(%dma_wait3A_72 : memref<20000xf32, #tpu.memory_space<hbm>>) dst(%dma_wait3A_71 : memref<20000xf32, #tpu.memory_space<vmem>>)
        tpu.yield
      }) : () -> ()
      "tpu.region"() ({
        %run_scoped3A = tpu.sem_alloc : memref<!tpu.dma_semaphore, #tpu.memory_space<semaphore_mem>>
        %dma_start3A = arith.constant 0 : i32
        %dma_start3A_63 = tpu.memref_slice %arg12[%dma_start3A] : memref<20064xf32, #tpu.memory_space<vmem>> -> memref<20000xf32, #tpu.memory_space<vmem>>
        %dma_start3A_64 = tpu.memref_slice %arg6[%mul3A_4] : memref<320000xf32, #tpu.memory_space<hbm>> -> memref<20000xf32, #tpu.memory_space<hbm>>
        %dma_start3A_65 = arith.constant 0 : i32
        %dma_start3A_66 = tpu.memref_slice %arg12[%dma_start3A_65] : memref<20064xf32, #tpu.memory_space<vmem>> -> memref<20000xf32, #tpu.memory_space<vmem>>
        %dma_start3A_67 = tpu.memref_slice %arg6[%mul3A_4] : memref<320000xf32, #tpu.memory_space<hbm>> -> memref<20000xf32, #tpu.memory_space<hbm>>
        tpu.enqueue_dma source(%dma_start3A_67 : memref<20000xf32, #tpu.memory_space<hbm>>) target(%dma_start3A_66 : memref<20000xf32, #tpu.memory_space<vmem>>) target_semaphore(%run_scoped3A : memref<!tpu.dma_semaphore, #tpu.memory_space<semaphore_mem>>)
        %dma_wait3A = arith.constant 0 : i32
        %dma_wait3A_68 = tpu.memref_slice %arg12[%dma_wait3A] : memref<20064xf32, #tpu.memory_space<vmem>> -> memref<20000xf32, #tpu.memory_space<vmem>>
        %dma_wait3A_69 = tpu.memref_slice %arg6[%mul3A_4] : memref<320000xf32, #tpu.memory_space<hbm>> -> memref<20000xf32, #tpu.memory_space<hbm>>
        %dma_wait3A_70 = arith.constant 0 : i32
        %dma_wait3A_71 = tpu.memref_slice %arg12[%dma_wait3A_70] : memref<20064xf32, #tpu.memory_space<vmem>> -> memref<20000xf32, #tpu.memory_space<vmem>>
        %dma_wait3A_72 = tpu.memref_slice %arg6[%mul3A_4] : memref<320000xf32, #tpu.memory_space<hbm>> -> memref<20000xf32, #tpu.memory_space<hbm>>
        tpu.wait_dma2 semaphore(%run_scoped3A : memref<!tpu.dma_semaphore, #tpu.memory_space<semaphore_mem>>) src(%dma_wait3A_72 : memref<20000xf32, #tpu.memory_space<hbm>>) dst(%dma_wait3A_71 : memref<20000xf32, #tpu.memory_space<vmem>>)
        tpu.yield
      }) : () -> ()
      %broadcast_in_dim3A = arith.constant 0xFF800000 : f32
      %broadcast_in_dim3A_5 = vector.broadcast %broadcast_in_dim3A : f32 to vector<16xf32>
      %swap3A = arith.constant 20000 : index
      %swap3A_6 = tpu.vector_load %arg8[%swap3A] {strides = array<i32>} : memref<20064xf32, #tpu.memory_space<vmem>>, vector<16xf32>,
      tpu.vector_store %arg8[%swap3A], %broadcast_in_dim3A_5 {strides = array<i32>} : memref<20064xf32, #tpu.memory_space<vmem>>, vector<16xf32>,
      %broadcast_in_dim3A_7 = arith.constant 0xFF800000 : f32
      %broadcast_in_dim3A_8 = vector.broadcast %broadcast_in_dim3A_7 : f32 to vector<16xf32>
      %swap3A_9 = arith.constant 20016 : index
      %swap3A_10 = tpu.vector_load %arg8[%swap3A_9] {strides = array<i32>} : memref<20064xf32, #tpu.memory_space<vmem>>, vector<16xf32>,
      tpu.vector_store %arg8[%swap3A_9], %broadcast_in_dim3A_8 {strides = array<i32>} : memref<20064xf32, #tpu.memory_space<vmem>>, vector<16xf32>,
      %broadcast_in_dim3A_11 = arith.constant 0xFF800000 : f32
      %broadcast_in_dim3A_12 = vector.broadcast %broadcast_in_dim3A_11 : f32 to vector<16xf32>
      %swap3A_13 = arith.constant 20032 : index
      %swap3A_14 = tpu.vector_load %arg8[%swap3A_13] {strides = array<i32>} : memref<20064xf32, #tpu.memory_space<vmem>>, vector<16xf32>,
      tpu.vector_store %arg8[%swap3A_13], %broadcast_in_dim3A_12 {strides = array<i32>} : memref<20064xf32, #tpu.memory_space<vmem>>, vector<16xf32>,
      %broadcast_in_dim3A_15 = arith.constant 0xFF800000 : f32
      %broadcast_in_dim3A_16 = vector.broadcast %broadcast_in_dim3A_15 : f32 to vector<16xf32>
      %swap3A_17 = arith.constant 20048 : index
      %swap3A_18 = tpu.vector_load %arg8[%swap3A_17] {strides = array<i32>} : memref<20064xf32, #tpu.memory_space<vmem>>, vector<16xf32>,
      tpu.vector_store %arg8[%swap3A_17], %broadcast_in_dim3A_16 {strides = array<i32>} : memref<20064xf32, #tpu.memory_space<vmem>>, vector<16xf32>,
      %scan3A = arith.constant 0 : i32
      %scan3A_19 = arith.constant 0 : i32
      %scan3A_20 = arith.constant 75 : i32
      %scan3A_21 = arith.addi %scan3A_19, %scan3A_20 : i32
      %scan3A_22 = arith.constant 1 : i32
      %scan3A_23 = scf.for %scan3A_63 = %scan3A_19 to %scan3A_21 step %scan3A_22 iter_args(%scan3A_64 = %scan3A) -> (i32)  : i32 {
        %broadcast_in_dim3A_65 = arith.constant 0.000000e+00 : f32
        %broadcast_in_dim3A_66 = vector.broadcast %broadcast_in_dim3A_65 : f32 to vector<16xf32>
        %mul3A_67 = arith.constant 16 : i32
        %mul3A_68 = arith.muli %scan3A_63, %mul3A_67 : i32
        %swap3A_69 = arith.index_cast %mul3A_68 : i32 to index
        %swap3A_70 = tpu.vector_load %arg13[%swap3A_69] {strides = array<i32>} : memref<1200xf32, #tpu.memory_space<vmem>>, vector<16xf32>,
        tpu.vector_store %arg13[%swap3A_69], %broadcast_in_dim3A_66 {strides = array<i32>} : memref<1200xf32, #tpu.memory_space<vmem>>, vector<16xf32>,
        %scan3A_71 = arith.constant 0 : i32
        scf.yield %scan3A_71 : i32
      }
      %scan3A_24 = arith.constant 75 : i32
      %iota3A = tpu.iota {dimensions = array<i32: 0>} : vector<16xi32>
      %broadcast_in_dim3A_25 = arith.constant 0xFF800000 : f32
      %broadcast_in_dim3A_26 = vector.broadcast %broadcast_in_dim3A_25 : f32 to vector<16xf32>
      %broadcast_in_dim3A_27 = arith.constant 0 : i32
      %broadcast_in_dim3A_28 = vector.broadcast %broadcast_in_dim3A_27 : i32 to vector<16xi32>
      %parallel_loop3A = arith.constant 0 : i32
      %parallel_loop3A_29 = arith.constant 1250 : i32
      %parallel_loop3A_30 = arith.constant 1 : i32
      %parallel_loop3A_31:2 = scf.for %parallel_loop3A_63 = %parallel_loop3A to %parallel_loop3A_29 step %parallel_loop3A_30 iter_args(%parallel_loop3A_64 = %broadcast_in_dim3A_26, %parallel_loop3A_65 = %broadcast_in_dim3A_28) -> (vector<16xf32>, vector<16xi32>)  : i32 {
        %parallel_loop3A_66 = arith.constant 16 : i32
        %parallel_loop3A_67 = arith.muli %parallel_loop3A_63, %parallel_loop3A_66 : i32
        %parallel_loop3A_68 = arith.index_cast %parallel_loop3A_67 : i32 to index
        %parallel_loop3A_69 = tpu.vector_load %arg8[%parallel_loop3A_68] {strides = array<i32>} : memref<20064xf32, #tpu.memory_space<vmem>>, vector<16xf32>,
        %parallel_loop3A_70 = arith.cmpf ogt, %parallel_loop3A_69, %parallel_loop3A_64 : vector<16xf32>
        %parallel_loop3A_71 = arith.select %parallel_loop3A_70, %parallel_loop3A_69, %parallel_loop3A_64 : vector<16xi1>, vector<16xf32>
        %parallel_loop3A_72 = vector.broadcast %parallel_loop3A_63 : i32 to vector<16xi32>
        %parallel_loop3A_73 = arith.select %parallel_loop3A_70, %parallel_loop3A_72, %parallel_loop3A_65 : vector<16xi1>, vector<16xi32>
        scf.yield %parallel_loop3A_71, %parallel_loop3A_73 : vector<16xf32>, vector<16xi32>
      } {sc.loop_unroll_factor = 4 : i64, sc.parallel_access}
      %reduce_max3A = arith.constant true
      %reduce_max3A_32 = vector.broadcast %reduce_max3A : i1 to vector<16xi1>
      %reduce_max3A_33 = tpu.scan <max>, %parallel_loop3A_31#0 masked %reduce_max3A_32 : vector<16xf32>, vector<16xi1> -> vector<16xf32>
      %reduce_max3A_34 = vector.extract %reduce_max3A_33[15] : f32 from vector<16xf32>
      %eq3A = vector.broadcast %reduce_max3A_34 : f32 to vector<16xf32>
      %eq3A_35 = arith.cmpf oeq, %parallel_loop3A_31#0, %eq3A : vector<16xf32>
      %mul3A_36 = arith.constant 16 : i32
      %mul3A_37 = vector.broadcast %mul3A_36 : i32 to vector<16xi32>
      %mul3A_38 = arith.muli %parallel_loop3A_31#1, %mul3A_37 : vector<16xi32>
      %add3A_39 = arith.addi %mul3A_38, %iota3A : vector<16xi32>
      %jit3A = arith.constant 2147483647 : i32
      %broadcast_in_dim3A_40 = vector.broadcast %jit3A : i32 to vector<16xi32>
      %select_n3A = arith.select %eq3A_35, %add3A_39, %broadcast_in_dim3A_40 : vector<16xi1>, vector<16xi32>
      %reduce_min3A = arith.constant true
      %reduce_min3A_41 = vector.broadcast %reduce_min3A : i1 to vector<16xi1>
      %reduce_min3A_42 = arith.constant -2147483648 : i32
      %reduce_min3A_43 = vector.broadcast %reduce_min3A_42 : i32 to vector<16xi32>
      %reduce_min3A_44 = arith.xori %select_n3A, %reduce_min3A_43 : vector<16xi32>
      %reduce_min3A_45 = tpu.scan <min>, %reduce_min3A_44 masked %reduce_min3A_41 : vector<16xi32>, vector<16xi1> -> vector<16xi32>
      %reduce_min3A_46 = arith.xori %reduce_min3A_45, %reduce_min3A_43 : vector<16xi32>
      %reduce_min3A_47 = vector.extract %reduce_min3A_46[15] : i32 from vector<16xi32>
      %scan3A_48 = arith.constant 20000 : i32
      %scan3A_49 = arith.constant 0 : i32
      %scan3A_50 = arith.constant 80 : i32
      %scan3A_51 = arith.addi %scan3A_49, %scan3A_50 : i32
      %scan3A_52 = arith.constant 1 : i32
      %scan3A_53:2 = scf.for %scan3A_63 = %scan3A_49 to %scan3A_51 step %scan3A_52 iter_args(%scan3A_64 = %reduce_min3A_47, %scan3A_65 = %scan3A_48) -> (i32, i32)  : i32 {
        %add3A_66 = arith.constant 16 : i32
        %add3A_67 = arith.addi %scan3A_65, %add3A_66 : i32
        %sub3A = arith.constant 1 : i32
        %sub3A_68 = arith.subi %add3A_67, %sub3A : i32
        %shift_right_arithmetic3A = arith.constant 4 : i32
        %shift_right_arithmetic3A_69 = arith.shrsi %sub3A_68, %shift_right_arithmetic3A : i32
        %min3A = arith.constant 19999 : i32
        %min3A_70 = arith.minsi %scan3A_64, %min3A : i32
        %gt3A = arith.constant 0 : i32
        %gt3A_71 = arith.cmpi sgt, %scan3A_65, %gt3A : i32
        %broadcast_in_dim3A_72 = vector.broadcast %min3A_70 : i32 to vector<16xi32>
        %gather3A = tpu.vector_load_idx %arg9[%broadcast_in_dim3A_72] : memref<20064xf32, #tpu.memory_space<vmem>>[vector<16xi32>], vector<16xf32>,
        %gather3A_73 = tpu.vector_load_idx %arg10[%broadcast_in_dim3A_72] : memref<20064xf32, #tpu.memory_space<vmem>>[vector<16xi32>], vector<16xf32>,
        %gather3A_74 = tpu.vector_load_idx %arg11[%broadcast_in_dim3A_72] : memref<20064xf32, #tpu.memory_space<vmem>>[vector<16xi32>], vector<16xf32>,
        %gather3A_75 = tpu.vector_load_idx %arg12[%broadcast_in_dim3A_72] : memref<20064xf32, #tpu.memory_space<vmem>>[vector<16xi32>], vector<16xf32>,
        %eq3A_76 = arith.constant 0 : i32
        %eq3A_77 = vector.broadcast %eq3A_76 : i32 to vector<16xi32>
        %eq3A_78 = arith.cmpi eq, %iota3A, %eq3A_77 : vector<16xi32>
        %eq3A_79 = arith.constant 1 : i32
        %eq3A_80 = vector.broadcast %eq3A_79 : i32 to vector<16xi32>
        %eq3A_81 = arith.cmpi eq, %iota3A, %eq3A_80 : vector<16xi32>
        %eq3A_82 = arith.constant 2 : i32
        %eq3A_83 = vector.broadcast %eq3A_82 : i32 to vector<16xi32>
        %eq3A_84 = arith.cmpi eq, %iota3A, %eq3A_83 : vector<16xi32>
        %select_n3A_85 = arith.select %eq3A_84, %gather3A_74, %gather3A_75 : vector<16xi1>, vector<16xf32>
        %select_n3A_86 = arith.select %eq3A_81, %gather3A_73, %select_n3A_85 : vector<16xi1>, vector<16xf32>
        %select_n3A_87 = arith.select %eq3A_78, %gather3A, %select_n3A_86 : vector<16xi1>, vector<16xf32>
        %mul3A_88 = arith.constant 4 : i32
        %mul3A_89 = arith.muli %mul3A_88, %scan3A_63 : i32
        %broadcast_in_dim3A_90 = vector.broadcast %mul3A_89 : i32 to vector<16xi32>
        %add3A_91 = arith.addi %broadcast_in_dim3A_90, %iota3A : vector<16xi32>
        %lt3A_92 = arith.constant 4 : i32
        %lt3A_93 = vector.broadcast %lt3A_92 : i32 to vector<16xi32>
        %lt3A_94 = arith.cmpi slt, %iota3A, %lt3A_93 : vector<16xi32>
        %and3A = vector.broadcast %gt3A_71 : i1 to vector<16xi1>
        %and3A_95 = arith.andi %lt3A_94, %and3A : vector<16xi1>
        tpu.vector_store_idx %arg13[%add3A_91], %select_n3A_87 masked %and3A_95 : memref<1200xf32, #tpu.memory_space<vmem>>[vector<16xi32>], vector<16xf32>, vector<16xi1>
        %broadcast_in_dim3A_96 = arith.constant 0xFF800000 : f32
        %broadcast_in_dim3A_97 = vector.broadcast %broadcast_in_dim3A_96 : f32 to vector<16xf32>
        %eq3A_98 = arith.constant 0 : i32
        %eq3A_99 = vector.broadcast %eq3A_98 : i32 to vector<16xi32>
        %eq3A_100 = arith.cmpi eq, %iota3A, %eq3A_99 : vector<16xi32>
        tpu.vector_store_idx %arg8[%broadcast_in_dim3A_72], %broadcast_in_dim3A_97 masked %eq3A_100 : memref<20064xf32, #tpu.memory_space<vmem>>[vector<16xi32>], vector<16xf32>, vector<16xi1>
        %broadcast_in_dim3A_101 = arith.constant 0xFF800000 : f32
        %broadcast_in_dim3A_102 = vector.broadcast %broadcast_in_dim3A_101 : f32 to vector<16xf32>
        %broadcast_in_dim3A_103 = arith.constant 2147483647 : i32
        %broadcast_in_dim3A_104 = vector.broadcast %broadcast_in_dim3A_103 : i32 to vector<16xi32>
        %parallel_loop3A_105 = arith.constant 0 : i32
        %parallel_loop3A_106 = arith.constant 1 : i32
        %parallel_loop3A_107 = arith.constant 0 : i32
        %parallel_loop3A_108:3 = scf.for %parallel_loop3A_130 = %parallel_loop3A_105 to %shift_right_arithmetic3A_69 step %parallel_loop3A_106 iter_args(%parallel_loop3A_131 = %parallel_loop3A_107, %parallel_loop3A_132 = %broadcast_in_dim3A_102, %parallel_loop3A_133 = %broadcast_in_dim3A_104) -> (i32, vector<16xf32>, vector<16xi32>)  : i32 {
          %parallel_loop3A_134 = arith.constant 16 : i32
          %parallel_loop3A_135 = arith.muli %parallel_loop3A_130, %parallel_loop3A_134 : i32
          %parallel_loop3A_136 = arith.index_cast %parallel_loop3A_135 : i32 to index
          %parallel_loop3A_137 = tpu.vector_load %arg8[%parallel_loop3A_136] {strides = array<i32>} : memref<20064xf32, #tpu.memory_space<vmem>>, vector<16xf32>,
          %parallel_loop3A_138 = arith.index_cast %parallel_loop3A_135 : i32 to index
          %parallel_loop3A_139 = tpu.vector_load %arg9[%parallel_loop3A_138] {strides = array<i32>} : memref<20064xf32, #tpu.memory_space<vmem>>, vector<16xf32>,
          %parallel_loop3A_140 = arith.index_cast %parallel_loop3A_135 : i32 to index
          %parallel_loop3A_141 = tpu.vector_load %arg10[%parallel_loop3A_140] {strides = array<i32>} : memref<20064xf32, #tpu.memory_space<vmem>>, vector<16xf32>,
          %parallel_loop3A_142 = arith.index_cast %parallel_loop3A_135 : i32 to index
          %parallel_loop3A_143 = tpu.vector_load %arg11[%parallel_loop3A_142] {strides = array<i32>} : memref<20064xf32, #tpu.memory_space<vmem>>, vector<16xf32>,
          %parallel_loop3A_144 = arith.index_cast %parallel_loop3A_135 : i32 to index
          %parallel_loop3A_145 = tpu.vector_load %arg12[%parallel_loop3A_144] {strides = array<i32>} : memref<20064xf32, #tpu.memory_space<vmem>>, vector<16xf32>,
          %parallel_loop3A_146 = arith.maximumf %gather3A, %parallel_loop3A_139 : vector<16xf32>
          %parallel_loop3A_147 = arith.maximumf %gather3A_73, %parallel_loop3A_141 : vector<16xf32>
          %parallel_loop3A_148 = arith.minimumf %gather3A_74, %parallel_loop3A_143 : vector<16xf32>
          %parallel_loop3A_149 = arith.minimumf %gather3A_75, %parallel_loop3A_145 : vector<16xf32>
          %parallel_loop3A_150 = arith.subf %parallel_loop3A_143, %parallel_loop3A_139 : vector<16xf32>
          %parallel_loop3A_151 = arith.subf %parallel_loop3A_145, %parallel_loop3A_141 : vector<16xf32>
          %parallel_loop3A_152 = arith.mulf %parallel_loop3A_150, %parallel_loop3A_151 : vector<16xf32>
          %parallel_loop3A_153 = arith.subf %parallel_loop3A_148, %parallel_loop3A_146 : vector<16xf32>
          %parallel_loop3A_154 = arith.constant 0.000000e+00 : f32
          %parallel_loop3A_155 = vector.broadcast %parallel_loop3A_154 : f32 to vector<16xf32>
          %parallel_loop3A_156 = arith.maximumf %parallel_loop3A_155, %parallel_loop3A_153 : vector<16xf32>
          %parallel_loop3A_157 = arith.subf %parallel_loop3A_147, %parallel_loop3A_149 : vector<16xf32>
          %parallel_loop3A_158 = arith.constant 0.000000e+00 : f32
          %parallel_loop3A_159 = vector.broadcast %parallel_loop3A_158 : f32 to vector<16xf32>
          %parallel_loop3A_160 = arith.maximumf %parallel_loop3A_159, %parallel_loop3A_157 : vector<16xf32>
          %parallel_loop3A_161 = arith.mulf %parallel_loop3A_156, %parallel_loop3A_160 : vector<16xf32>
          %parallel_loop3A_162 = arith.divf %parallel_loop3A_161, %parallel_loop3A_152 : vector<16xf32>
          %parallel_loop3A_163 = arith.constant 5.000000e-01 : f32
          %parallel_loop3A_164 = vector.broadcast %parallel_loop3A_163 : f32 to vector<16xf32>
          %parallel_loop3A_165 = arith.cmpf olt, %parallel_loop3A_162, %parallel_loop3A_164 : vector<16xf32>
          %parallel_loop3A_166 = arith.constant 0xFF800000 : f32
          %parallel_loop3A_167 = vector.broadcast %parallel_loop3A_166 : f32 to vector<16xf32>
          %parallel_loop3A_168 = arith.cmpf one, %parallel_loop3A_137, %parallel_loop3A_167 : vector<16xf32>
          %parallel_loop3A_169 = arith.andi %parallel_loop3A_165, %parallel_loop3A_168 : vector<16xi1>
          %parallel_loop3A_170 = arith.index_cast %parallel_loop3A_131 : i32 to index
          %parallel_loop3A_171 = tpu.vector_load %arg8[%parallel_loop3A_170] masked %parallel_loop3A_169 {strides = array<i32>} : memref<20064xf32, #tpu.memory_space<vmem>>, vector<16xf32>, vector<16xi1>
          tpu.vector_store %arg8[%parallel_loop3A_170], %parallel_loop3A_137 masked %parallel_loop3A_169 {strides = array<i32>} : memref<20064xf32, #tpu.memory_space<vmem>>, vector<16xf32>, vector<16xi1>
          %parallel_loop3A_172 = arith.index_cast %parallel_loop3A_131 : i32 to index
          %parallel_loop3A_173 = tpu.vector_load %arg9[%parallel_loop3A_172] masked %parallel_loop3A_169 {strides = array<i32>} : memref<20064xf32, #tpu.memory_space<vmem>>, vector<16xf32>, vector<16xi1>
          tpu.vector_store %arg9[%parallel_loop3A_172], %parallel_loop3A_139 masked %parallel_loop3A_169 {strides = array<i32>} : memref<20064xf32, #tpu.memory_space<vmem>>, vector<16xf32>, vector<16xi1>
          %parallel_loop3A_174 = arith.index_cast %parallel_loop3A_131 : i32 to index
          %parallel_loop3A_175 = tpu.vector_load %arg10[%parallel_loop3A_174] masked %parallel_loop3A_169 {strides = array<i32>} : memref<20064xf32, #tpu.memory_space<vmem>>, vector<16xf32>, vector<16xi1>
          tpu.vector_store %arg10[%parallel_loop3A_174], %parallel_loop3A_141 masked %parallel_loop3A_169 {strides = array<i32>} : memref<20064xf32, #tpu.memory_space<vmem>>, vector<16xf32>, vector<16xi1>
          %parallel_loop3A_176 = arith.index_cast %parallel_loop3A_131 : i32 to index
          %parallel_loop3A_177 = tpu.vector_load %arg11[%parallel_loop3A_176] masked %parallel_loop3A_169 {strides = array<i32>} : memref<20064xf32, #tpu.memory_space<vmem>>, vector<16xf32>, vector<16xi1>
          tpu.vector_store %arg11[%parallel_loop3A_176], %parallel_loop3A_143 masked %parallel_loop3A_169 {strides = array<i32>} : memref<20064xf32, #tpu.memory_space<vmem>>, vector<16xf32>, vector<16xi1>
          %parallel_loop3A_178 = arith.index_cast %parallel_loop3A_131 : i32 to index
          %parallel_loop3A_179 = tpu.vector_load %arg12[%parallel_loop3A_178] masked %parallel_loop3A_169 {strides = array<i32>} : memref<20064xf32, #tpu.memory_space<vmem>>, vector<16xf32>, vector<16xi1>
          tpu.vector_store %arg12[%parallel_loop3A_178], %parallel_loop3A_145 masked %parallel_loop3A_169 {strides = array<i32>} : memref<20064xf32, #tpu.memory_space<vmem>>, vector<16xf32>, vector<16xi1>
          %parallel_loop3A_180 = arith.extui %parallel_loop3A_169 : vector<16xi1> to vector<16xi32>
          %parallel_loop3A_181 = arith.constant true
          %parallel_loop3A_182 = vector.broadcast %parallel_loop3A_181 : i1 to vector<16xi1>
          %parallel_loop3A_183 = tpu.scan <sum>, %parallel_loop3A_180 masked %parallel_loop3A_182 : vector<16xi32>, vector<16xi1> -> vector<16xi32>
          %parallel_loop3A_184 = vector.broadcast %parallel_loop3A_131 : i32 to vector<16xi32>
          %parallel_loop3A_185 = arith.addi %parallel_loop3A_184, %parallel_loop3A_183 : vector<16xi32>
          %parallel_loop3A_186 = arith.constant 1 : i32
          %parallel_loop3A_187 = vector.broadcast %parallel_loop3A_186 : i32 to vector<16xi32>
          %parallel_loop3A_188 = arith.subi %parallel_loop3A_185, %parallel_loop3A_187 : vector<16xi32>
          %parallel_loop3A_189 = arith.cmpf ogt, %parallel_loop3A_137, %parallel_loop3A_132 : vector<16xf32>
          %parallel_loop3A_190 = arith.andi %parallel_loop3A_169, %parallel_loop3A_189 : vector<16xi1>
          %parallel_loop3A_191 = arith.select %parallel_loop3A_190, %parallel_loop3A_137, %parallel_loop3A_132 : vector<16xi1>, vector<16xf32>
          %parallel_loop3A_192 = arith.select %parallel_loop3A_190, %parallel_loop3A_188, %parallel_loop3A_133 : vector<16xi1>, vector<16xi32>
          %parallel_loop3A_193 = tpu.all_reduce %parallel_loop3A_169 {dim = 0 : i64, kind = #tpu.reduction_kind<sum>} : vector<16xi1> -> vector<16xi32>
          %parallel_loop3A_194 = vector.extract_strided_slice %parallel_loop3A_193 {offsets = [0], sizes = [1], strides = [1]} : vector<16xi32> to vector<1xi32>
          %parallel_loop3A_195 = vector.extract %parallel_loop3A_194[0] : i32 from vector<1xi32>
          %parallel_loop3A_196 = arith.addi %parallel_loop3A_131, %parallel_loop3A_195 : i32
          scf.yield %parallel_loop3A_196, %parallel_loop3A_191, %parallel_loop3A_192 : i32, vector<16xf32>, vector<16xi32>
        } {sc.loop_unroll_factor = 2 : i64, sc.parallel_access}
        %broadcast_in_dim3A_109 = arith.constant 0xFF800000 : f32
        %broadcast_in_dim3A_110 = vector.broadcast %broadcast_in_dim3A_109 : f32 to vector<16xf32>
        %swap3A_111 = arith.index_cast %parallel_loop3A_108#0 : i32 to index
        %swap3A_112 = tpu.vector_load %arg8[%swap3A_111] {strides = array<i32>} : memref<20064xf32, #tpu.memory_space<vmem>>, vector<16xf32>,
        tpu.vector_store %arg8[%swap3A_111], %broadcast_in_dim3A_110 {strides = array<i32>} : memref<20064xf32, #tpu.memory_space<vmem>>, vector<16xf32>,
        %reduce_max3A_113 = arith.constant true
        %reduce_max3A_114 = vector.broadcast %reduce_max3A_113 : i1 to vector<16xi1>
        %reduce_max3A_115 = tpu.scan <max>, %parallel_loop3A_108#1 masked %reduce_max3A_114 : vector<16xf32>, vector<16xi1> -> vector<16xf32>
        %reduce_max3A_116 = vector.extract %reduce_max3A_115[15] : f32 from vector<16xf32>
        %eq3A_117 = vector.broadcast %reduce_max3A_116 : f32 to vector<16xf32>
        %eq3A_118 = arith.cmpf oeq, %parallel_loop3A_108#1, %eq3A_117 : vector<16xf32>
        %jit3A_119 = arith.constant 2147483647 : i32
        %broadcast_in_dim3A_120 = vector.broadcast %jit3A_119 : i32 to vector<16xi32>
        %select_n3A_121 = arith.select %eq3A_118, %parallel_loop3A_108#2, %broadcast_in_dim3A_120 : vector<16xi1>, vector<16xi32>
        %reduce_min3A_122 = arith.constant true
        %reduce_min3A_123 = vector.broadcast %reduce_min3A_122 : i1 to vector<16xi1>
        %reduce_min3A_124 = arith.constant -2147483648 : i32
        %reduce_min3A_125 = vector.broadcast %reduce_min3A_124 : i32 to vector<16xi32>
        %reduce_min3A_126 = arith.xori %select_n3A_121, %reduce_min3A_125 : vector<16xi32>
        %reduce_min3A_127 = tpu.scan <min>, %reduce_min3A_126 masked %reduce_min3A_123 : vector<16xi32>, vector<16xi1> -> vector<16xi32>
        %reduce_min3A_128 = arith.xori %reduce_min3A_127, %reduce_min3A_125 : vector<16xi32>
        %reduce_min3A_129 = vector.extract %reduce_min3A_128[15] : i32 from vector<16xi32>
        scf.yield %reduce_min3A_129, %parallel_loop3A_108#0 : i32, i32
      }
      %scan3A_54 = arith.constant 80 : i32
      %scan3A_55 = arith.constant 80 : i32
      %scan3A_56 = arith.constant 220 : i32
      %scan3A_57 = arith.addi %scan3A_55, %scan3A_56 : i32
      %scan3A_58 = arith.constant 1 : i32
      %scan3A_59:2 = scf.for %scan3A_63 = %scan3A_55 to %scan3A_57 step %scan3A_58 iter_args(%scan3A_64 = %scan3A_53#0, %scan3A_65 = %scan3A_53#1) -> (i32, i32)  : i32 {
        %add3A_66 = arith.constant 16 : i32
        %add3A_67 = arith.addi %scan3A_65, %add3A_66 : i32
        %sub3A = arith.constant 1 : i32
        %sub3A_68 = arith.subi %add3A_67, %sub3A : i32
        %shift_right_arithmetic3A = arith.constant 4 : i32
        %shift_right_arithmetic3A_69 = arith.shrsi %sub3A_68, %shift_right_arithmetic3A : i32
        %min3A = arith.constant 19999 : i32
        %min3A_70 = arith.minsi %scan3A_64, %min3A : i32
        %gt3A = arith.constant 0 : i32
        %gt3A_71 = arith.cmpi sgt, %scan3A_65, %gt3A : i32
        %broadcast_in_dim3A_72 = vector.broadcast %min3A_70 : i32 to vector<16xi32>
        %gather3A = tpu.vector_load_idx %arg9[%broadcast_in_dim3A_72] : memref<20064xf32, #tpu.memory_space<vmem>>[vector<16xi32>], vector<16xf32>,
        %gather3A_73 = tpu.vector_load_idx %arg10[%broadcast_in_dim3A_72] : memref<20064xf32, #tpu.memory_space<vmem>>[vector<16xi32>], vector<16xf32>,
        %gather3A_74 = tpu.vector_load_idx %arg11[%broadcast_in_dim3A_72] : memref<20064xf32, #tpu.memory_space<vmem>>[vector<16xi32>], vector<16xf32>,
        %gather3A_75 = tpu.vector_load_idx %arg12[%broadcast_in_dim3A_72] : memref<20064xf32, #tpu.memory_space<vmem>>[vector<16xi32>], vector<16xf32>,
        %eq3A_76 = arith.constant 0 : i32
        %eq3A_77 = vector.broadcast %eq3A_76 : i32 to vector<16xi32>
        %eq3A_78 = arith.cmpi eq, %iota3A, %eq3A_77 : vector<16xi32>
        %eq3A_79 = arith.constant 1 : i32
        %eq3A_80 = vector.broadcast %eq3A_79 : i32 to vector<16xi32>
        %eq3A_81 = arith.cmpi eq, %iota3A, %eq3A_80 : vector<16xi32>
        %eq3A_82 = arith.constant 2 : i32
        %eq3A_83 = vector.broadcast %eq3A_82 : i32 to vector<16xi32>
        %eq3A_84 = arith.cmpi eq, %iota3A, %eq3A_83 : vector<16xi32>
        %select_n3A_85 = arith.select %eq3A_84, %gather3A_74, %gather3A_75 : vector<16xi1>, vector<16xf32>
        %select_n3A_86 = arith.select %eq3A_81, %gather3A_73, %select_n3A_85 : vector<16xi1>, vector<16xf32>
        %select_n3A_87 = arith.select %eq3A_78, %gather3A, %select_n3A_86 : vector<16xi1>, vector<16xf32>
        %mul3A_88 = arith.constant 4 : i32
        %mul3A_89 = arith.muli %mul3A_88, %scan3A_63 : i32
        %broadcast_in_dim3A_90 = vector.broadcast %mul3A_89 : i32 to vector<16xi32>
        %add3A_91 = arith.addi %broadcast_in_dim3A_90, %iota3A : vector<16xi32>
        %lt3A_92 = arith.constant 4 : i32
        %lt3A_93 = vector.broadcast %lt3A_92 : i32 to vector<16xi32>
        %lt3A_94 = arith.cmpi slt, %iota3A, %lt3A_93 : vector<16xi32>
        %and3A = vector.broadcast %gt3A_71 : i1 to vector<16xi1>
        %and3A_95 = arith.andi %lt3A_94, %and3A : vector<16xi1>
        tpu.vector_store_idx %arg13[%add3A_91], %select_n3A_87 masked %and3A_95 : memref<1200xf32, #tpu.memory_space<vmem>>[vector<16xi32>], vector<16xf32>, vector<16xi1>
        %broadcast_in_dim3A_96 = arith.constant 0xFF800000 : f32
        %broadcast_in_dim3A_97 = vector.broadcast %broadcast_in_dim3A_96 : f32 to vector<16xf32>
        %eq3A_98 = arith.constant 0 : i32
        %eq3A_99 = vector.broadcast %eq3A_98 : i32 to vector<16xi32>
        %eq3A_100 = arith.cmpi eq, %iota3A, %eq3A_99 : vector<16xi32>
        tpu.vector_store_idx %arg8[%broadcast_in_dim3A_72], %broadcast_in_dim3A_97 masked %eq3A_100 : memref<20064xf32, #tpu.memory_space<vmem>>[vector<16xi32>], vector<16xf32>, vector<16xi1>
        %broadcast_in_dim3A_101 = arith.constant 0xFF800000 : f32
        %broadcast_in_dim3A_102 = vector.broadcast %broadcast_in_dim3A_101 : f32 to vector<16xf32>
        %broadcast_in_dim3A_103 = arith.constant 2147483647 : i32
        %broadcast_in_dim3A_104 = vector.broadcast %broadcast_in_dim3A_103 : i32 to vector<16xi32>
        %parallel_loop3A_105 = arith.constant 0 : i32
        %parallel_loop3A_106 = arith.constant 1 : i32
        %parallel_loop3A_107:2 = scf.for %parallel_loop3A_129 = %parallel_loop3A_105 to %shift_right_arithmetic3A_69 step %parallel_loop3A_106 iter_args(%parallel_loop3A_130 = %broadcast_in_dim3A_102, %parallel_loop3A_131 = %broadcast_in_dim3A_104) -> (vector<16xf32>, vector<16xi32>)  : i32 {
          %parallel_loop3A_132 = arith.constant 16 : i32
          %parallel_loop3A_133 = arith.muli %parallel_loop3A_129, %parallel_loop3A_132 : i32
          %parallel_loop3A_134 = arith.index_cast %parallel_loop3A_133 : i32 to index
          %parallel_loop3A_135 = tpu.vector_load %arg8[%parallel_loop3A_134] {strides = array<i32>} : memref<20064xf32, #tpu.memory_space<vmem>>, vector<16xf32>,
          %parallel_loop3A_136 = arith.index_cast %parallel_loop3A_133 : i32 to index
          %parallel_loop3A_137 = tpu.vector_load %arg9[%parallel_loop3A_136] {strides = array<i32>} : memref<20064xf32, #tpu.memory_space<vmem>>, vector<16xf32>,
          %parallel_loop3A_138 = arith.index_cast %parallel_loop3A_133 : i32 to index
          %parallel_loop3A_139 = tpu.vector_load %arg10[%parallel_loop3A_138] {strides = array<i32>} : memref<20064xf32, #tpu.memory_space<vmem>>, vector<16xf32>,
          %parallel_loop3A_140 = arith.index_cast %parallel_loop3A_133 : i32 to index
          %parallel_loop3A_141 = tpu.vector_load %arg11[%parallel_loop3A_140] {strides = array<i32>} : memref<20064xf32, #tpu.memory_space<vmem>>, vector<16xf32>,
          %parallel_loop3A_142 = arith.index_cast %parallel_loop3A_133 : i32 to index
          %parallel_loop3A_143 = tpu.vector_load %arg12[%parallel_loop3A_142] {strides = array<i32>} : memref<20064xf32, #tpu.memory_space<vmem>>, vector<16xf32>,
          %parallel_loop3A_144 = arith.maximumf %gather3A, %parallel_loop3A_137 : vector<16xf32>
          %parallel_loop3A_145 = arith.maximumf %gather3A_73, %parallel_loop3A_139 : vector<16xf32>
          %parallel_loop3A_146 = arith.minimumf %gather3A_74, %parallel_loop3A_141 : vector<16xf32>
          %parallel_loop3A_147 = arith.minimumf %gather3A_75, %parallel_loop3A_143 : vector<16xf32>
          %parallel_loop3A_148 = arith.subf %parallel_loop3A_141, %parallel_loop3A_137 : vector<16xf32>
          %parallel_loop3A_149 = arith.subf %parallel_loop3A_143, %parallel_loop3A_139 : vector<16xf32>
          %parallel_loop3A_150 = arith.mulf %parallel_loop3A_148, %parallel_loop3A_149 : vector<16xf32>
          %parallel_loop3A_151 = arith.subf %parallel_loop3A_146, %parallel_loop3A_144 : vector<16xf32>
          %parallel_loop3A_152 = arith.constant 0.000000e+00 : f32
          %parallel_loop3A_153 = vector.broadcast %parallel_loop3A_152 : f32 to vector<16xf32>
          %parallel_loop3A_154 = arith.maximumf %parallel_loop3A_153, %parallel_loop3A_151 : vector<16xf32>
          %parallel_loop3A_155 = arith.subf %parallel_loop3A_145, %parallel_loop3A_147 : vector<16xf32>
          %parallel_loop3A_156 = arith.constant 0.000000e+00 : f32
          %parallel_loop3A_157 = vector.broadcast %parallel_loop3A_156 : f32 to vector<16xf32>
          %parallel_loop3A_158 = arith.maximumf %parallel_loop3A_157, %parallel_loop3A_155 : vector<16xf32>
          %parallel_loop3A_159 = arith.mulf %parallel_loop3A_154, %parallel_loop3A_158 : vector<16xf32>
          %parallel_loop3A_160 = arith.divf %parallel_loop3A_159, %parallel_loop3A_150 : vector<16xf32>
          %parallel_loop3A_161 = arith.constant 5.000000e-01 : f32
          %parallel_loop3A_162 = vector.broadcast %parallel_loop3A_161 : f32 to vector<16xf32>
          %parallel_loop3A_163 = arith.cmpf olt, %parallel_loop3A_160, %parallel_loop3A_162 : vector<16xf32>
          %parallel_loop3A_164 = arith.constant 0xFF800000 : f32
          %parallel_loop3A_165 = vector.broadcast %parallel_loop3A_164 : f32 to vector<16xf32>
          %parallel_loop3A_166 = arith.select %parallel_loop3A_163, %parallel_loop3A_135, %parallel_loop3A_165 : vector<16xi1>, vector<16xf32>
          %parallel_loop3A_167 = arith.index_cast %parallel_loop3A_133 : i32 to index
          %parallel_loop3A_168 = tpu.vector_load %arg8[%parallel_loop3A_167] {strides = array<i32>} : memref<20064xf32, #tpu.memory_space<vmem>>, vector<16xf32>,
          tpu.vector_store %arg8[%parallel_loop3A_167], %parallel_loop3A_166 {strides = array<i32>} : memref<20064xf32, #tpu.memory_space<vmem>>, vector<16xf32>,
          %parallel_loop3A_169 = arith.cmpf ogt, %parallel_loop3A_166, %parallel_loop3A_130 : vector<16xf32>
          %parallel_loop3A_170 = arith.select %parallel_loop3A_169, %parallel_loop3A_166, %parallel_loop3A_130 : vector<16xi1>, vector<16xf32>
          %parallel_loop3A_171 = vector.broadcast %parallel_loop3A_133 : i32 to vector<16xi32>
          %parallel_loop3A_172 = arith.addi %parallel_loop3A_171, %iota3A : vector<16xi32>
          %parallel_loop3A_173 = arith.select %parallel_loop3A_169, %parallel_loop3A_172, %parallel_loop3A_131 : vector<16xi1>, vector<16xi32>
          scf.yield %parallel_loop3A_170, %parallel_loop3A_173 : vector<16xf32>, vector<16xi32>
        } {sc.loop_unroll_factor = 4 : i64, sc.parallel_access}
        %reduce_max3A_108 = arith.constant true
        %reduce_max3A_109 = vector.broadcast %reduce_max3A_108 : i1 to vector<16xi1>
        %reduce_max3A_110 = tpu.scan <max>, %parallel_loop3A_107#0 masked %reduce_max3A_109 : vector<16xf32>, vector<16xi1> -> vector<16xf32>
        %reduce_max3A_111 = vector.extract %reduce_max3A_110[15] : f32 from vector<16xf32>
        %eq3A_112 = vector.broadcast %reduce_max3A_111 : f32 to vector<16xf32>
        %eq3A_113 = arith.cmpf oeq, %parallel_loop3A_107#0, %eq3A_112 : vector<16xf32>
        %jit3A_114 = arith.constant 2147483647 : i32
        %broadcast_in_dim3A_115 = vector.broadcast %jit3A_114 : i32 to vector<16xi32>
        %select_n3A_116 = arith.select %eq3A_113, %parallel_loop3A_107#1, %broadcast_in_dim3A_115 : vector<16xi1>, vector<16xi32>
        %reduce_min3A_117 = arith.constant true
        %reduce_min3A_118 = vector.broadcast %reduce_min3A_117 : i1 to vector<16xi1>
        %reduce_min3A_119 = arith.constant -2147483648 : i32
        %reduce_min3A_120 = vector.broadcast %reduce_min3A_119 : i32 to vector<16xi32>
        %reduce_min3A_121 = arith.xori %select_n3A_116, %reduce_min3A_120 : vector<16xi32>
        %reduce_min3A_122 = tpu.scan <min>, %reduce_min3A_121 masked %reduce_min3A_118 : vector<16xi32>, vector<16xi1> -> vector<16xi32>
        %reduce_min3A_123 = arith.xori %reduce_min3A_122, %reduce_min3A_120 : vector<16xi32>
        %reduce_min3A_124 = vector.extract %reduce_min3A_123[15] : i32 from vector<16xi32>
        %gt3A_125 = arith.constant 0xFF800000 : f32
        %gt3A_126 = arith.cmpf ogt, %reduce_max3A_111, %gt3A_125 : f32
        %jit3A_127 = arith.constant 0 : i32
        %select_n3A_128 = arith.select %gt3A_126, %scan3A_65, %jit3A_127 : i32
        scf.yield %reduce_min3A_124, %select_n3A_128 : i32, i32
      }
      %scan3A_60 = arith.constant 220 : i32
      %mul3A_61 = arith.constant 1200 : i32
      %mul3A_62 = arith.muli %add3A, %mul3A_61 : i32
      "tpu.region"() ({
        %run_scoped3A = tpu.sem_alloc : memref<!tpu.dma_semaphore, #tpu.memory_space<semaphore_mem>>
        %dma_start3A = tpu.memref_slice %arg7[%mul3A_62] : memref<19200xf32, #tpu.memory_space<hbm>> -> memref<1200xf32, #tpu.memory_space<hbm>>
        %dma_start3A_63 = tpu.memref_slice %arg7[%mul3A_62] : memref<19200xf32, #tpu.memory_space<hbm>> -> memref<1200xf32, #tpu.memory_space<hbm>>
        tpu.enqueue_dma source(%arg13 : memref<1200xf32, #tpu.memory_space<vmem>>) target(%dma_start3A_63 : memref<1200xf32, #tpu.memory_space<hbm>>) target_semaphore(%run_scoped3A : memref<!tpu.dma_semaphore, #tpu.memory_space<semaphore_mem>>)
        %dma_wait3A = tpu.memref_slice %arg7[%mul3A_62] : memref<19200xf32, #tpu.memory_space<hbm>> -> memref<1200xf32, #tpu.memory_space<hbm>>
        %dma_wait3A_64 = tpu.memref_slice %arg7[%mul3A_62] : memref<19200xf32, #tpu.memory_space<hbm>> -> memref<1200xf32, #tpu.memory_space<hbm>>
        tpu.wait_dma2 semaphore(%run_scoped3A : memref<!tpu.dma_semaphore, #tpu.memory_space<semaphore_mem>>) src(%arg13 : memref<1200xf32, #tpu.memory_space<vmem>>) dst(%dma_wait3A_64 : memref<1200xf32, #tpu.memory_space<hbm>>)
        tpu.yield
      }) : () -> ()
    } else {
    }
    return
  }
}

</mosaic_0001>

<sc_bundles>
// kernel: kernel.3.cloned.1.call-start
scs
__scs_entry_jumppad:
0x0: {  	(pc) =	sbr.rel $0x88, $3  }
0x1: {  	(tag) =	ssettag $0x0;
	lr =	simm.s32 $0x1  }
0x2: {  	[smem:$0x3FA0] =	sst lr;
	_ =	strace $0xD0000000  }
0x3: {  	_ = 	snop  }
0x4: {  	_ = 	snop  }
0x5: {  	_ = 	snop  }
0x6: {  	_ = 	snop  }
0x7: {  	_ = 	snop  }
__scs_overlays_trampoline_lowered:
0x8: {  	[smem:$0x3FAF] =	sst s0  }
0x9: {  	[smem:$0x3FB0] =	sst s1  }
0xa: {  	[smem:$0x3FB1] =	sst s2  }
0xb: {  	[smem:$0x3FB2] =	sst s3  }
0xc: {  	[smem:$0x3FB3] =	sst s4  }
0xd: {  	[smem:$0x3FB4] =	sst s5  }
0xe: {  	[smem:$0x3FB5] =	sst s6  }
0xf: {  	[smem:$0x3FB6] =	sst s7  }
0x10: {  	[smem:$0x3FB7] =	sst s8  }
0x11: {  	[smem:$0x3FB8] =	sst s9;
	s0 =	simm.s32 @!p0 $0x0  }
0x12: {  	s1 =	sld [smem:$0x3F9E];
	s0 =	simm.s32 @p0 $0x1  }
0x13: {  	[smem:$0x3FB9] =	sst s0;
	s0 =	simm.s32 @!p1 $0x0  }
0x14: {  	s2 =	sld [smem:$0x3F9D];
	s0 =	simm.s32 @p1 $0x1  }
0x15: {  	[smem:$0x3FBA] =	sst s0;
	s0 =	simm.s32 @!p2 $0x0  }
0x16: {  	s3 =	sld [smem:$0x3FDB];
	s0 =	simm.s32 @p2 $0x1  }
0x17: {  	s4 =	simm.s32 $0x1BF5;
	[smem:$0x3FBC] =	sst s0  }
0x18: {  	s0 =	sld [smem:$0x3F9F];
	_ =	swait.ge [sflag:s4], $0x0  }
0x19: {  	s7 =	sld [smem:$0x3FA0]  }
0x1a: {  	s8 =	sadd.s32 $0xFFFFE003, lr  }
0x1b: {  	s9 =	sadd.s32 $0xFFFFFEF7, lr;
	s5 =	simm.s32 $0xFFFFFFFF;
	p2 =	slt.u32 s8, $0xFFFFF086  }
0x1c: {  	p1 =	slt.u32 s9, $0xF7A;
	s5 =	simm.s32 @!p2 $0x0  }
0x1d: {  	s5 =	simm.s32 @p1 $0x1;
	p0 =	seq.s32 s7, s2  }
0x1e: {  	s7 =	smul.u32 @!p0 $0xF7A, s2;
	p2 =	seq.s32 @!p0 s5, $0x0  }
0x1f: {  	s9 =	smul.u32 $0xF7A, s1;
	s8 =	simm.s32 @!p0 $0x1BF5;
	p2 =	por !p2, p0  }
0x20: {  	[sflag:s8] =	ssyncset.s32 @!p0 $0xFFFFF086;
	s6 =	sadd.s32 @!p0 s3, s7;
	s7 =	simm.s32 @!p0 $0x108  }
0x21: {  	s3 =	sadd.s32 s3, s9;
	s6 =	sadd.s32 @!p0 $0x88, s6;
	s7 =	simm.s32 @p2 $0x1082  }
0x22: {  	[simem:s7], [sflag:s8] =	dma.local @!p0 [hbm:s6], $0xF7A  }
0x23: {  	s9 =	sor.u32 $0xD0000000, s2;
	s6 =	simm.s32 $0x108;
	_ =	swait.ge @!p0 [sflag:s8], $0x0  }
0x24: {  	s3 =	sadd.s32 $0x88, s3;
	s6 =	simm.s32 @!p1 $0x1082;
	[sflag:s4] =	ssyncset.s32 $0xFFFFF086  }
0x25: {  	[simem:s6], [sflag:s4] =	dma.local [hbm:s3], $0xF7A  }
0x26: {  	[smem:$0x3FA0] =	sst s1;
	(tag) =	ssettag s2;
	_ =	strace s9  }
0x27: {  	s1 =	sld [smem:$0x3FB0]  }
0x28: {  	s2 =	sld [smem:$0x3FB1]  }
0x29: {  	s4 =	sld [smem:$0x3FB3]  }
0x2a: {  	p0 =	seq.s32 s5, $0x0;
	s5 =	sld [smem:$0x3FB4]  }
0x2b: {  	s6 =	sld [smem:$0x3FB5]  }
0x2c: {  	s7 =	sld [smem:$0x3FB6]  }
0x2d: {  	s3 =	simm.s32 $0x108;
	s8 =	sld [smem:$0x3FB7]  }
0x2e: {  	s3 =	simm.s32 @!p0 $0x1082;
	s9 =	sld [smem:$0x3FB8]  }
0x2f: {  	lr =	sadd.s32 s0, s3;
	s0 =	sld [smem:$0x3FAF]  }
0x30: {  	s3 =	sld [smem:$0x3FB2]  }
0x31: {  	[smem:$0x3FBB] =	sst s10  }
0x32: {  	s10 =	sld [smem:$0x3FB9];
	_ =	sdelay $0x3  }
0x33: {  	p0 =	seq.s32 s10, $0x1;
	s10 =	sld [smem:$0x3FBB];
	_ =	sdelay $0x3  }
0x34: {  	[smem:$0x3FBB] =	sst s10  }
0x35: {  	s10 =	sld [smem:$0x3FBA];
	_ =	sdelay $0x3  }
0x36: {  	p1 =	seq.s32 s10, $0x1;
	s10 =	sld [smem:$0x3FBB];
	_ =	sdelay $0x3  }
0x37: {  	[smem:$0x3FBB] =	sst s10  }
0x38: {  	s10 =	sld [smem:$0x3FBC]  }
0x39: {  	_ = 	snop;
	(pc) =	sbr.ind lr, $3  }
0x3a: {  	_ = 	snop  }
0x3b: {  	_ = 	snop  }
0x3c: {  	p2 =	seq.s32 s10, $0x1;
	s10 =	sld [smem:$0x3FBB]  }
0x3d: {  	_ =	shalt  }
0x3e: {  	_ =	shalt  }
0x3f: {  	_ =	shalt  }
0x40: {  	_ =	shalt  }
0x41: {  	_ =	shalt  }
0x42: {  	_ =	shalt  }
0x43: {  	_ =	shalt  }
0x44: {  	_ =	shalt  }
0x45: {  	_ =	shalt  }
0x46: {  	_ =	shalt  }
0x47: {  	_ =	shalt  }
0x48: {  	_ =	shalt  }
0x49: {  	_ =	shalt  }
0x4a: {  	_ =	shalt  }
0x4b: {  	_ =	shalt  }
0x4c: {  	_ =	shalt  }
0x4d: {  	_ =	shalt  }
0x4e: {  	_ =	shalt  }
0x4f: {  	_ =	shalt  }
0x50: {  	_ =	shalt  }
0x51: {  	_ =	shalt  }
0x52: {  	_ =	shalt  }
0x53: {  	_ =	shalt  }
0x54: {  	_ =	shalt  }
0x55: {  	_ =	shalt  }
0x56: {  	_ =	shalt  }
0x57: {  	_ =	shalt  }
0x58: {  	_ =	shalt  }
0x59: {  	_ =	shalt  }
0x5a: {  	_ =	shalt  }
0x5b: {  	_ =	shalt  }
0x5c: {  	_ =	shalt  }
0x5d: {  	_ =	shalt  }
0x5e: {  	_ =	shalt  }
0x5f: {  	_ =	shalt  }
0x60: {  	_ =	shalt  }
0x61: {  	_ =	shalt  }
0x62: {  	_ =	shalt  }
0x63: {  	_ =	shalt  }
0x64: {  	_ =	shalt  }
0x65: {  	_ =	shalt  }
0x66: {  	_ =	shalt  }
0x67: {  	_ =	shalt  }
0x68: {  	_ =	shalt  }
0x69: {  	_ =	shalt  }
0x6a: {  	_ =	shalt  }
0x6b: {  	_ =	shalt  }
0x6c: {  	_ =	shalt  }
0x6d: {  	_ =	shalt  }
0x6e: {  	_ =	shalt  }
0x6f: {  	_ =	shalt  }
0x70: {  	_ =	shalt  }
0x71: {  	_ =	shalt  }
0x72: {  	_ =	shalt  }
0x73: {  	_ =	shalt  }
0x74: {  	_ =	shalt  }
0x75: {  	_ =	shalt  }
0x76: {  	_ =	shalt  }
0x77: {  	_ =	shalt  }
0x78: {  	_ =	shalt  }
0x79: {  	_ =	shalt  }
0x7a: {  	_ =	shalt  }
0x7b: {  	_ =	shalt  }
0x7c: {  	_ =	shalt  }
0x7d: {  	_ =	shalt  }
0x7e: {  	_ =	shalt  }
0x7f: {  	_ =	shalt  }
0x80: {  	_ =	shalt  }
0x81: {  	_ =	shalt  }
0x82: {  	_ =	shalt  }
0x83: {  	_ =	shalt  }
0x84: {  	_ =	shalt  }
0x85: {  	_ =	shalt  }
0x86: {  	_ =	shalt  }
0x87: {  	_ =	shalt  }
.Lfunc_end0:
.L_simem_size_0:
called_computation_lowered:
.L_overlay_start_0:
0x88: {  	s2 =	sld [smem:$0x3FD9]  }
0x89: {  	s3 =	sld [smem:$0x3FFE];
	_ =	sdelay $0x1  }
0x8a: {  	s1 =	srdreg.scid  }
0x8b: {  	s0 =	sand.u32 $0x1, s1  }
0x8c: {  	s17 =	sshll.u32 s0, $0xA;
	s2 =	sadd.s32 s3, s2  }
0x8d: {  	s2 =	sadd.s32 s2, s17  }
0x8e: {  	[smem:$0x3FC7] =	sst s2  }
0x8f: {  	_ = 	snop  }
0x90: {  	s2 =	sld [smem:$0x3FD0];
	(tm) =	ssettm $0x1  }
0x91: {  	s18 =	sld [smem:$0x3FFB];
	_ =	sdelay $0x3  }
0x92: {  	_ =	strace s18  }
0x93: {  	s3 =	sld [smem:$0x3FFC];
	_ =	sdelay $0x3  }
0x94: {  	_ =	strace s3  }
0x95: {  	s3 =	sld [smem:$0x3FFD];
	_ =	sdelay $0x3  }
0x96: {  	_ =	strace s3  }
0x97: {  	_ =	strace $0x8FFFFFFF  }
0x98: {  	s19 =	sld [smem:$0x3FDB];
	_ =	sdelay $0x1  }
0x99: {  	s4 =	simm.s32 $_scs_section_size  }
0x9a: {  	s5 =	simm.s32 $_size__tile_overlayer_lowered;
	s6 =	simm.s32 $_tile_overlayer_lowered  }
0x9b: {  	s22 =	simm.s32 $0x1BFF;
	s21 =	sshll.u32 s6, $0x1;
	s3 =	sadd.s32 s4, s19  }
0x9c: {  	s7 =	simm.s32 $0x0;
	s20 =	sshll.u32 s5, $0x1;
	s5 =	sadd.s32 s21, s3  }
0x9d: {  	[timem:s7], [sflag:s22] =	dma.local [hbm:s5], s20  }
0x9e: {  	_ =	swait.ge [sflag:s22], s20  }
0x9f: {  	s4 =	ssub.s32 $0x0, s20;
	[sflag:s22] =	ssyncset.done $0x0  }
0xa0: {  	[sflag:s22] =	ssyncadd.s32 s4;
	_ =	sdelay $0x1  }
0xa1: {  	s23 =	simm.s32 $0x1B8B  }
0xa2: {  	_ =	swait.ge [sflag:s23], $0x1  }
0xa3: {  	[sflag:s23] =	ssyncset.done $0x0  }
0xa4: {  	s25 =	simm.s32 $0x1B8E;
	s24 =	sld [smem:$0x3FFE];
	[sflag:s23] =	ssyncadd.s32 $0xFFFFFFFF  }
0xa5: {  	s26 =	simm.s32 $execute0_lowered;
	[smem:$0x3FD2] =	sst s25  }
0xa6: {  	s5 =	sshll.u32 s26, $0x1;
	_ =	strace $0x80000046;
	[dreg:$0x1] =	wrdreg $0xFFFFFFFF  }
0xa7: {  	s28 =	simm.s32 $_size_execute0_lowered;
	s3 =	sadd.s32 s3, s5;
	[dreg:$0x0] =	wrdreg $0x0  }
0xa8: {  	s5 =	sshll.u32 s28, $0x1;
	[dreg:$0x2] =	wrdreg s3  }
0xa9: {  	[dreg:$0x3] =	wrdreg s5  }
0xaa: {  	[dreg:$0x4] =	wrdreg $0xC0  }
0xab: {  	_ =	task [dreg:s7], $0x5FFFF  }
0xac: {  	[dreg:$0x1] =	wrdreg $0xFFFFFFFF  }
0xad: {  	[dreg:$0x0] =	wrdreg $0x60  }
0xae: {  	[dreg:$0x2] =	wrdreg s24  }
0xaf: {  	[dreg:$0x3] =	wrdreg s2  }
0xb0: {  	[dreg:$0x4] =	wrdreg $0x9  }
0xb1: {  	_ =	task.clear_ibuf [dreg:s7], $0x5FFFF;
	_ =	strace $0x90000046  }
0xb2: {  	s29 =	simm.s32 $0x9;
	_ =	strace $0x80000048  }
0xb3: {  	_ =	swait.ge [sflag:s29], $0x1  }
0xb4: {  	[sflag:s29] =	ssyncadd.s32 $0xFFFFFFFF  }
0xb5: {  	_ =	strace $0x90000048  }
0xb6: {  	_ =	sfence  }
0xb7: {  	s30 =	sld [smem:$0x0];
	_ =	sdelay $0x2  }
0xb8: {  	s31 =	sshll.u32 s1, $0xD;
	s1 =	sshrl.u32 s1, $0x2  }
0xb9: {  	s3 =	sand.u32 $0x4000, s31;
	s1 =	sadd.s32 s1, s30  }
0xba: {  	s0 =	sor.u32 s3, s0;
	s1 =	sshll.u32 s1, $0x11  }
0xbb: {  	s0 =	sor.u32 s1, s0  }
0xbc: {  	s0 =	sadd.s32 $0x8F2B, s0  }
0xbd: {  	[sflag:s0] =	ssyncadd.remote.s32 $0x1  }
0xbe: {  	_ =	sfence.sel $0xFFFF  }
0xbf: {  	[dreg:$0x0] =	wrdreg $0xFFFFFFFF;
	(pc) =	sbr.abs _section_cstart, $3  }
0xc0: {  	[dreg:$0x1] =	wrdreg $0xFFFFFFFF  }
0xc1: {  	_ =	task.clear_ibuf [dreg:s7], $0x2FFFF;
	_ =	strace $0x9FFFFFFF  }
0xc2: {  	(tm) =	ssettm $0x7FFFFFFF  }
0xc3: {  	_ =	shalt  }
tec
execute0_lowered:
.L_overlay_start_1:
0x0: {  	(tag) =	ssettag $0x1  }
0x1: {  	s1 =	stileid.u32  }
0x2: {  	p0 =	sgt.u32 s1, $0x7  }
.Ltmp0:
0x3: {  	_ = 	snop;
	(pc) =	sbr.rel @p0 .LBB2_20-.Ltmp0, $4  }
0x4: {  	s3 =	rddreg [dreg:$0x0]  }
0x5: {  	s7 =	rddreg [dreg:$0x1];
	s2 =	simm.s32 $0x0  }
0x6: {  	[smem:$0x7FF] =	sst s2  }
0x7: {  	s0 =	rddreg [dreg:$0x2];
	_ =	strace $0x80000047  }
0x8: {  	s4 =	srdreg.scid  }
0x9: {  	s5 =	sshll.u32 s1, $0x1;
	s4 =	sand.u32 $0x1, s4  }
0xa: {  	s5 =	sor.u32 s4, s5  }
0xb: {  	s9 =	sadd.s32 $0x27800, s3;
	s13 =	simm.s32 $0xEB80;
	s8 =	smul.u32 $0x9C4, s5  }
0xc: {  	s14 =	simm.s32 $0x13A00;
	s11 =	ssub.s32 $0x2, s4;
	s10 =	smul.u32 $0x96, s5  }
.Ltmp1:
0xd: {  	s15 =	simm.s32 $0x18880;
	s12 =	sshrl.u32 s11, $0x1;
	(pc) =	sbr.rel .LBB2_2-.Ltmp1, $4  }
0xe: {  	v0 =	vlaneseq.u32;
	s16 =	simm.s32 $0x0;
	s31 =	ssub.s32 s11, s12;
	s11 =	simm.s32 $0x4E80  }
0xf: {  	v1 =	vimm.f32 $-Inf;
	v2 =	vimm.f32 $0.0e+00;
	vm0 =	vcmask $0x3F0C;
	s12 =	simm.s32 $0x9D00;
	s3 =	sadd.s32 s3, s8;
	s7 =	sadd.s32 s7, s10  }
0x10: {  	vm1 =	vcmask $0x3F08;
	vm2 =	vmmov $0x1;
	vm3 =	vmxor vm3, vm3;
	s8 =	sadd.s32 s9, s8;
	s9 =	smax.u32 s31, $0x1;
	s10 =	simm.s32 $0x1  }
0x11: {  	vm4 =	vmmov $0xf;
	v4 =	vimm.s32 $0x0;
	v3 =	vor.u32 $0x80000000, v0;
	s4 =	sadd.s32 $0x1DA00, s3;
	s5 =	sadd.s32 $0x13C00, s3;
	s6 =	sadd.s32 $0x9E00, s3  }
.LBB2_19:
0x12: {  	s16 =	sadd.s32 $0x1, s16  }
0x13: {  	p0 =	sne.s32 s16, s9  }
.Ltmp2:
0x14: {  	_ = 	snop;
	(pc) =	sbr.rel @!p0 .LBB2_20-.Ltmp2, $4  }
0x15: {  	[hbm4b:s7+s2] =	stream.linear.scatter [tilespmem:s15], [sflag:$0x1], $0x4B0, $0x38;
	[tilespmem:$0x18D80] =	vst v63  }
0x16: {  	_ =	swait.ge [sflag:s10], $0x4B0  }
0x17: {  	[sflag:s10] =	ssyncset.done $0x0  }
0x18: {  	[sflag:s10] =	ssyncadd.s32 $0xFFFFFB50  }
.LBB2_2:
0x19: {  	s17 =	simm.s32 $0x0  }
0x1a: {  	[tilespmem:s17], [sflag:$0x1] =	stream.linear.gather [hbm4b:s8+s17], $0x4E20, $0x38;
	[tilespmem:$0x18D80] =	vst v63  }
0x1b: {  	_ =	swait.ge [sflag:s10], $0x4E20  }
0x1c: {  	[sflag:s10] =	ssyncset.done $0x0  }
0x1d: {  	[sflag:s10] =	ssyncadd.s32 $0xFFFFB1E0  }
0x1e: {  	[tilespmem:s11], [sflag:$0x1] =	stream.linear.gather [hbm4b:s4+s17], $0x4E20, $0x38;
	[tilespmem:$0x18D80] =	vst v63  }
0x1f: {  	_ =	swait.ge [sflag:s10], $0x4E20  }
0x20: {  	[sflag:s10] =	ssyncset.done $0x0  }
0x21: {  	[sflag:s10] =	ssyncadd.s32 $0xFFFFB1E0  }
0x22: {  	[tilespmem:s12], [sflag:$0x1] =	stream.linear.gather [hbm4b:s5+s17], $0x4E20, $0x38;
	[tilespmem:$0x18D80] =	vst v63  }
0x23: {  	_ =	swait.ge [sflag:s10], $0x4E20  }
0x24: {  	[sflag:s10] =	ssyncset.done $0x0  }
0x25: {  	[sflag:s10] =	ssyncadd.s32 $0xFFFFB1E0  }
0x26: {  	[tilespmem:s13], [sflag:$0x1] =	stream.linear.gather [hbm4b:s6+s17], $0x4E20, $0x38;
	[tilespmem:$0x18D80] =	vst v63  }
0x27: {  	_ =	swait.ge [sflag:s10], $0x4E20  }
0x28: {  	[sflag:s10] =	ssyncset.done $0x0  }
0x29: {  	[sflag:s10] =	ssyncadd.s32 $0xFFFFB1E0  }
0x2a: {  	[tilespmem:s14], [sflag:$0x1] =	stream.linear.gather [hbm4b:s3+s17], $0x4E20, $0x38;
	[tilespmem:$0x18D80] =	vst v63  }
0x2b: {  	_ =	swait.ge [sflag:s10], $0x4E20  }
0x2c: {  	[sflag:s10] =	ssyncset.done $0x0  }
0x2d: {  	[sflag:s10] =	ssyncadd.s32 $0xFFFFB1E0  }
0x2e: {  	[tilespmem:$0x4E20] =	vst v1  }
0x2f: {  	[tilespmem:$0x4E30] =	vst v1  }
0x30: {  	[tilespmem:$0x4E40] =	vst v1  }
0x31: {  	s18 =	simm.s32 $0x0;
	[tilespmem:$0x4E50] =	vst v1  }
.LBB2_3:
0x32: {  	p0 =	sne.s32 s18, $0x1280  }
.Ltmp3:
0x33: {  	_ = 	snop;
	(pc) =	sbr.rel @p0 .LBB2_3-.Ltmp3, $3  }
0x34: {  	_ =	sdelay $0x1  }
0x35: {  	s19 =	sshra.s32 s18, $0x2  }
0x36: {  	s18 =	sadd.s32 $0x40, s18;
	[tilespmem:s19+$0x18880] =	vst v2  }
0x37: {  	s18 =	simm.s32 $0x20  }
0x38: {  	v6 =	vld [tilespmem:s18+$0xFFFFFFE0];
	_ =	sdelay $0x1  }
0x39: {  	v8 =	vld [tilespmem:s18+$0xFFFFFFF0];
	_ =	sdelay $0x1  }
0x3a: {  	v7 =	vimm.f32 $-Inf;
	v5 =	vld [tilespmem:s18+$0x0]  }
0x3b: {  	vm5 =	vgt.f32 v6, v7  }
0x3c: {  	v9 =	vimm.s32 $0x0;
	v10 =	vsel vm5, v6, v7;
	v6 =	vld [tilespmem:s18+$0x10]  }
0x3d: {  	s19 =	simm.s32 $0x1;
	s21 =	simm.s32 $0x60;
	v11 =	vsel vm5, s17, v9;
	vm5 =	vgt.f32 v8, v10  }
0x3e: {  	s22 =	simm.s32 $0x8;
	s18 =	simm.s32 $0x4;
	v7 =	vld [tilespmem:s21+$0xFFFFFFE0];
	v9 =	vsel vm5, v8, v10;
	v8 =	vsel vm5, s19, v11  }
.LBB2_5:
0x3f: {  	p0 =	slt.u32 s22, $0x4DC;
	vm5 =	vgt.f32 v5, v9;
	s19 =	sadd.s32 $0x2, s17  }
0x40: {  	v10 =	vld [tilespmem:s21+$0xFFFFFFF0];
	v9 =	vsel vm5, v5, v9;
	v8 =	vsel vm5, s19, v8  }
0x41: {  	s19 =	sadd.s32 $0x3, s17;
	s17 =	smov.u32 s18;
	s18 =	smov.u32 s22;
	vm5 =	vgt.f32 v6, v9  }
.Ltmp4:
0x42: {  	s20 =	simm.s32 $0x4E00;
	v5 =	vld [tilespmem:s21+$0x0];
	v6 =	vsel vm5, v6, v9;
	v8 =	vsel vm5, s19, v8;
	s19 =	simm.s32 $0x4E0;
	(pc) =	sbr.rel @p0 .LBB2_5-.Ltmp4, $4  }
0x43: {  	vm5 =	vgt.f32 v7, v6  }
0x44: {  	v9 =	vsel vm5, v7, v6;
	v8 =	vsel vm5, s17, v8;
	v6 =	vld [tilespmem:s21+$0x10]  }
0x45: {  	s23 =	sadd.s32 $0x1, s17;
	s21 =	sadd.s32 $0x40, s21;
	vm5 =	vgt.f32 v10, v9  }
0x46: {  	s22 =	sadd.s32 $0x4, s22;
	v7 =	vld [tilespmem:s21+$0xFFFFFFE0];
	v9 =	vsel vm5, v10, v9;
	v8 =	vsel vm5, s23, v8  }
0x47: {  	vm5 =	vgt.f32 v5, v9  }
0x48: {  	v10 =	vld [tilespmem:s21+$0xFFFFFFF0];
	v5 =	vsel vm5, v5, v9  }
0x49: {  	vm6 =	vgt.f32 v6, v5  }
0x4a: {  	v63 =	vld [tilespmem:s21+$0x0];
	v5 =	vsel vm6, v6, v5  }
0x4b: {  	vm7 =	vgt.f32 v7, v5  }
0x4c: {  	s22 =	sadd.s32 $0x2, s17;
	v6 =	vld [tilespmem:s21+$0x10];
	v5 =	vsel vm7, v7, v5  }
0x4d: {  	s28 =	sadd.s32 $0x3, s17;
	v7 =	vsel vm5, s22, v8;
	vm5 =	vgt.f32 v10, v5  }
0x4e: {  	v7 =	vsel vm6, s28, v7;
	v5 =	vsel vm5, v10, v5  }
0x4f: {  	s29 =	sadd.s32 $0x1, s18;
	v7 =	vsel vm7, s18, v7;
	vm6 =	vgt.f32 v63, v5  }
0x50: {  	s30 =	sadd.s32 $0x2, s18;
	v7 =	vsel vm5, s29, v7;
	v5 =	vsel vm6, v63, v5  }
0x51: {  	s31 =	sadd.s32 $0x3, s18;
	v7 =	vsel vm6, s30, v7;
	vm5 =	vgt.f32 v6, v5  }
0x52: {  	v5 =	vsel vm5, v6, v5;
	v6 =	vsel vm5, s31, v7  }
.LBB2_7:
0x53: {  	v7 =	vld [tilespmem:s20+$0x0]  }
0x54: {  	p0 =	sne.s32 s19, $0x4E1  }
.Ltmp5:
0x55: {  	_ = 	snop;
	(pc) =	sbr.rel @p0 .LBB2_7-.Ltmp5, $3  }
0x56: {  	_ =	sdelay $0x1  }
0x57: {  	vm5 =	vgt.f32 v7, v5  }
0x58: {  	s20 =	sadd.s32 $0x10, s20;
	v6 =	vsel vm5, s19, v6;
	v5 =	vsel vm5, v7, v5;
	s19 =	sadd.s32 $0x1, s19  }
0x59: {  	(xrf0) =	vmax.scan.msk.f32 $0xffff, v5;
	_ =	sdelay $0x5  }
0x5a: {  	v7, _, _ =	vpop (xrf0)  }
0x5b: {  	v7 =	vbroadcast v7, $0xF  }
0x5c: {  	v6 =	vshll.u32 v6, $0x4  }
0x5d: {  	vm5 =	veq.f32 v5, v7;
	v5 =	vxor.u32 v3, v6  }
0x5e: {  	v5 =	vnsel vm5, $0xFFFFFFFF, v5  }
0x5f: {  	(xrf0) =	vmin.scan.msk.u32 $0xffff, v5;
	_ =	sdelay $0x5  }
0x60: {  	v5, _, _ =	vpop (xrf0)  }
0x61: {  	(v2sf) =	vpush v5, $0xF;
	_ =	sdelay $0xb  }
.Ltmp6:
0x62: {  	_ = 	snop;
	(pc) =	sbr.rel .LBB2_9-.Ltmp6, $3  }
0x63: {  	_ =	sdelay $0x1  }
0x64: {  	s19 =	simm.s32 $0x4E20;
	s17 =	spop (v2sf)  }
0x65: {  	s18 =	simm.s32 $0x0;
	s20 =	sxor.u32 $0x80000000, s17;
	s17 =	simm.s32 $0x0  }
.LBB2_10:
0x66: {  	v10 =	vimm.s32 $0x7FFFFFFF;
	s21 =	simm.s32 $0x0  }
.LBB2_11:
0x67: {  	s19 =	ssub.s32 s19, s20  }
0x68: {  	p0 =	slt.s32 s19, $0x1  }
0x69: {  	s19 =	sshll.u32 @!p0 s20, $0x4  }
0x6a: {  	v11 =	vld @!p0 [tilespmem:s19+$0x4E80]  }
0x6b: {  	v12 =	vld @!p0 [tilespmem:s19+$0x9D00]  }
0x6c: {  	v13 =	vld @!p0 [tilespmem:s19+$0xEB80]  }
0x6d: {  	v14 =	vld @!p0 [tilespmem:s19+$0x13A00];
	_ =	sdelay $0x4  }
0x6e: {  	v15 =	vsub.f32 @!p0 v13, v11;
	v16 =	vsub.f32 @!p0 v14, v12;
	_ =	sdelay $0x1  }
0x6f: {  	v15 =	vmul.f32 @!p0 v16, v15;
	_ =	sdelay $0x1  }
0x70: {  	(erf) = vrcp.f32 @!p0 v15;
	_ =	sdelay $0x2  }
0x71: {  	v7 =	vmax.f32 @!p0 v7, v12;
	v6 =	vmin.f32 @!p0 v6, v14  }
0x72: {  	v8 =	vmax.f32 @!p0 v8, v11;
	v5 =	vmin.f32 @!p0 v5, v13;
	v6 =	vsub.f32 @!p0 v7, v6  }
0x73: {  	v5 =	vsub.f32 @!p0 v5, v8  }
0x74: {  	v7 =	vld @!p0 [tilespmem:s19+$0x0];
	v6 =	vmax.f32 @!p0 v6, $0.0e+00  }
0x75: {  	v5 =	vmax.f32 @!p0 v5, $0.0e+00  }
0x76: {  	v5 =	vmul.f32 @!p0 v6, v5  }
0x77: {  	v6 =	vpop @!p0 (erf)  }
0x78: {  	v5 =	vmul.f32 @!p0 v5, v6  }
0x79: {  	vm5 =	vlt.f32 @!p0 v7, $-Inf;
	vm6 =	vgt.f32 @!p0 v7, $-Inf  }
0x7a: {  	vm5 =	vmor @!p0 vm6, vm5;
	vm7 =	vlt.f32 @!p0 v5, $5.000000000e-01  }
0x7b: {  	vm5 =	vmand @!p0 vm5, vm7  }
0x7c: {  	v5 =	vmpcnt.ones.xlane @!p0 vm5;
	_ =	sdelay $0x1  }
0x7d: {  	(v2sf) =	vpush @!p0 v5, $0x0;
	v5 =	vimm.s32 @!p0 $0x0  }
0x7e: {  	v5 =	vsel @!p0 vm5, $0x1, v5  }
0x7f: {  	(xrf0) =	vadd.scan.msk.s32 @!p0 $0xffff, v5;
	_ =	sdelay $0x2  }
0x80: {  	v5 =	vmov @!p0 s21  }
0x81: {  	v5 =	vadd.s32 @!p0 $0xFFFFFFFF, v5  }
0x82: {  	v5 =	vbroadcast @!p0 v5, $0x0  }
0x83: {  	vm6 =	vgt.f32 @!p0 v7, v9;
	v6, _, _ =	vpop @!p0 (xrf0)  }
0x84: {  	vm6 =	vmand @!p0 vm6, vm5;
	v5 =	vadd.s32 @!p0 v6, v5  }
0x85: {  	v6 =	vsel @!p0 vm6, v5, v10;
	v5 =	vsel @!p0 vm6, v7, v9  }
0x86: {  	v5 =	vpsel p0, v9, v5  }
0x87: {  	(xrf0) =	vmax.scan.msk.f32 $0xffff, v5;
	_ =	sdelay $0x4  }
0x88: {  	[tilespmem:s21+$0x0] =	vst.msk @!p0 vm5, v7  }
0x89: {  	[tilespmem:s21+$0x4E80] =	vst.msk @!p0 vm5, v11;
	v7, _, _ =	vpop (xrf0)  }
0x8a: {  	[tilespmem:s21+$0x9D00] =	vst.msk @!p0 vm5, v12;
	v7 =	vbroadcast v7, $0xF  }
0x8b: {  	[tilespmem:s21+$0xEB80] =	vst.msk @!p0 vm5, v13;
	v6 =	vpsel p0, v10, v6  }
0x8c: {  	[tilespmem:s21+$0x13A00] =	vst.msk @!p0 vm5, v14;
	vm5 =	veq.f32 v5, v7;
	v5 =	vxor.u32 $0x80000000, v6  }
0x8d: {  	v5 =	vnsel vm5, $0xFFFFFFFF, v5  }
0x8e: {  	(xrf0) =	vmin.scan.msk.u32 $0xffff, v5;
	_ =	sdelay $0x5  }
0x8f: {  	v5, _, _ =	vpop (xrf0)  }
0x90: {  	s19 =	spop @!p0 (v2sf);
	(v2sf) =	vpush v5, $0xF;
	_ =	sdelay $0x9  }
0x91: {  	s18 =	sadd.s32 $0x1, s18;
	s19 =	sadd.s32 @!p0 s21, s19  }
0x92: {  	s19 =	smov.u32 @p0 s21;
	p0 =	sne.s32 s18, $0x50  }
.Ltmp7:
0x93: {  	_ = 	snop;
	(pc) =	sbr.rel @!p0 .LBB2_12-.Ltmp7, $3  }
0x94: {  	_ =	sdelay $0x1  }
0x95: {  	s31 =	spop (v2sf)  }
0x96: {  	[tilespmem:s19+$0x0] =	vst v1;
	s20 =	sxor.u32 $0x80000000, s31  }
.LBB2_9:
0x97: {  	p0 =	slt.s32 s20, $0x4E1F  }
0x98: {  	s20 =	simm.s32 @!p0 $0x4E1F  }
0x99: {  	v10 =	vmov s20;
	_ =	sdelay $0x4  }
0x9a: {  	v5 =	vld.idx.msk [tilespmem:v10+s13+$0x0], $0xffff  }
0x9b: {  	vm5 =	vmmov vm3;
	s31 =	sadd.s32 $0xF, s19;
	p0 =	sgt.s32 s19, $0x0;
	v6 =	vld.idx.msk [tilespmem:v10+s14+$0x0], $0xffff  }
0x9c: {  	s19 =	sshra.s32 s31, $0x4;
	vm5 =	vmneg @p0 vm5;
	s20 =	sshrl.u32 s31, $0x1F;
	v7 =	vld.idx.msk [tilespmem:v10+s12+$0x0], $0xffff  }
0x9d: {  	s30 =	sshll.u32 s18, $0x2;
	vm5 =	vmand vm5, vm4;
	s20 =	sadd.s32 s20, s19;
	v8 =	vld.idx.msk [tilespmem:v10+s11+$0x0], $0xffff  }
0x9e: {  	v9 =	vadd.s32 s30, v0;
	s20 =	sand.u32 $0xFFFFFFFE, s20  }
0x9f: {  	p0 =	slt.s32 s20, $0x1  }
.Ltmp8:
0xa0: {  	v11 =	vsel vm0, v6, v5;
	(pc) =	sbr.rel @p0 .LBB2_10-.Ltmp8, $4  }
0xa1: {  	v11 =	vsel vm1, v11, v7  }
0xa2: {  	v11 =	vsel vm2, v8, v11  }
0xa3: {  	[tilespmem:v9+s15+$0x0] =	vst.idx.msk vm5, v11;
	v9 =	vimm.f32 $-Inf  }
0xa4: {  	[tilespmem:v10+s17+$0x0] =	vst.idx.msk $0x1, v9  }
0xa5: {  	s26 =	simm.s32 $0xEB90  }
0xa6: {  	v30 =	vld [tilespmem:s26+$0xFFFFFFF0]  }
0xa7: {  	s24 =	simm.s32 $0x9D10;
	v19 =	vld [tilespmem:s26+$0x0]  }
0xa8: {  	s25 =	simm.s32 $0x4E90;
	v33 =	vld [tilespmem:s24+$0xFFFFFFF0]  }
0xa9: {  	s23 =	simm.s32 $0x13A10;
	v22 =	vld [tilespmem:s25+$0x0]  }
0xaa: {  	v18 =	vld [tilespmem:s23+$0x0]  }
0xab: {  	v11 =	vld [tilespmem:s25+$0xFFFFFFF0]  }
0xac: {  	v12 =	vld [tilespmem:s23+$0xFFFFFFF0]  }
0xad: {  	s22 =	simm.s32 $0x10;
	v21 =	vld [tilespmem:s24+$0x0]  }
0xae: {  	v31 =	vld [tilespmem:s22+$0xFFFFFFF0]  }
0xaf: {  	v10 =	vimm.f32 $-Inf;
	v9 =	vimm.s32 $0x7FFFFFFF;
	v27 =	vld [tilespmem:s22+$0x0]  }
0xb0: {  	v13 =	vmin.f32 v5, v30;
	v14 =	vmin.f32 v5, v19;
	v15 =	vsub.f32 v19, v22  }
0xb1: {  	v16 =	vmax.f32 v8, v22;
	v17 =	vsub.f32 v30, v11;
	v20 =	vsub.f32 v12, v33  }
0xb2: {  	p2 =	sgt.s32 s20, $0x2;
	v23 =	vmax.f32 v7, v33;
	v24 =	vsub.f32 v18, v21;
	v25 =	vmin.f32 v6, v18  }
.Ltmp9:
0xb3: {  	v26 =	vmax.f32 v7, v21;
	v28 =	vmin.f32 v6, v12;
	vm9 =	vlt.f32 v31, $-Inf;
	(pc) =	sbr.rel @!p2 .LBB2_22-.Ltmp9, $4  }
0xb4: {  	vm10 =	vgt.f32 v31, $-Inf;
	vm8 =	vlt.f32 v27, $-Inf;
	v17 =	vmul.f32 v20, v17  }
0xb5: {  	s21 =	simm.s32 $0x0;
	p0 =	por $0x0, $0x0;
	v25 =	vsub.f32 v26, v25;
	v39 =	vsub.f32 v23, v28;
	v15 =	vmul.f32 v24, v15  }
0xb6: {  	p1 =	por $0x0, $0x0;
	s24 =	simm.s32 $0x9D30;
	s25 =	simm.s32 $0x4EB0;
	v43 =	vsub.f32 v14, v16;
	v20 =	vmax.f32 v8, v11;
	(erf) = vrcp.f32 v17  }
0xb7: {  	s22 =	simm.s32 $0x30;
	s23 =	simm.s32 $0x13A30;
	s26 =	simm.s32 $0xEBB0;
	v37 =	vsub.f32 v13, v20;
	v29 =	vmax.f32 v25, $0.0e+00;
	(erf) = vrcp.f32 v15  }
0xb8: {  	v24 =	vld [tilespmem:s26+$0xFFFFFFF0]  }
0xb9: {  	v14 =	vld [tilespmem:s26+$0x0]  }
0xba: {  	v20 =	vld [tilespmem:s24+$0xFFFFFFF0]  }
0xbb: {  	v15 =	vld [tilespmem:s25+$0x0]  }
0xbc: {  	v17 =	vld [tilespmem:s23+$0x0]  }
0xbd: {  	v16 =	vmax.f32 v39, $0.0e+00;
	v23 =	vld [tilespmem:s25+$0xFFFFFFF0];
	v13 =	vmax.f32 v37, $0.0e+00  }
0xbe: {  	v13 =	vmul.f32 v16, v13;
	v16 =	vld [tilespmem:s24+$0x0]  }
0xbf: {  	v25 =	vmax.f32 v43, $0.0e+00  }
0xc0: {  	vm6 =	vmor vm10, vm9;
	vm7 =	vgt.f32 v27, $-Inf;
	vm5 =	vmmov vm8;
	v26 =	vpop (erf)  }
0xc1: {  	v25 =	vmul.f32 v29, v25;
	v29 =	vmin.f32 v5, v24;
	v13 =	vmul.f32 v13, v26;
	v26 =	vld [tilespmem:s23+$0xFFFFFFF0]  }
0xc2: {  	v32 =	vmin.f32 v5, v14;
	v34 =	vsub.f32 v14, v15;
	v35 =	vmax.f32 v7, v20  }
0xc3: {  	v38 =	vsub.f32 v24, v23;
	v61 =	vmax.f32 v8, v23;
	v36 =	vsub.f32 v17, v16  }
0xc4: {  	v40 =	vld [tilespmem:s22+$0x0];
	v59 =	vmin.f32 v6, v17;
	v37 =	vsub.f32 v29, v61;
	v42 =	vmax.f32 v7, v16;
	v28 =	vpop (erf)  }
0xc5: {  	v62 =	vsub.f32 v42, v59;
	v25 =	vmul.f32 v25, v28;
	v34 =	vmul.f32 v36, v34  }
0xc6: {  	p2 =	sgt.s32 s20, $0x4;
	v28 =	vld [tilespmem:s22+$0xFFFFFFF0];
	vm8 =	vlt.f32 v13, $5.000000000e-01;
	v13 =	vmax.f32 v8, v15;
	v41 =	vsub.f32 v26, v20  }
.Ltmp10:
0xc7: {  	v29 =	vmax.f32 v62, $0.0e+00;
	vm6 =	vmand vm6, vm8;
	v43 =	vsub.f32 v32, v13;
	(pc) =	sbr.rel @!p2 .LBB2_24-.Ltmp10, $4  }
0xc8: {  	vm11 =	vlt.f32 v25, $5.000000000e-01;
	v58 =	vmpcnt.ones.xlane vm6;
	v38 =	vmul.f32 v41, v38  }
0xc9: {  	vm8 =	vlt.f32 v40, $-Inf;
	v63 =	vsel vm6, $0x1, v4;
	v60 =	vmin.f32 v6, v26  }
0xca: {  	s25 =	simm.s32 $0x9D50;
	s26 =	simm.s32 $0xEBD0;
	p0 =	por $0x1, $0x1;
	(v2sf) =	vpush v58, $0x0;
	v39 =	vsub.f32 v35, v60;
	(erf) = vrcp.f32 v38  }
0xcb: {  	s24 =	simm.s32 $0x13A50;
	s23 =	simm.s32 $0x50;
	s22 =	simm.s32 $0x4ED0;
	(xrf0) =	vadd.scan.msk.s32 $0xffff, v63;
	vm9 =	vlt.f32 v28, $-Inf;
	vm10 =	vgt.f32 v28, $-Inf;
	(erf) = vrcp.f32 v34  }
0xcc: {  	_ =	sdelay $0x3  }
0xcd: {  	vm12 =	vmor vm7, vm5;
	v34 =	vld [tilespmem:s26+$0xFFFFFFF0];
	vm9 =	vmor vm10, vm9  }
0xce: {  	vm7 =	vgt.f32 v40, $-Inf;
	vm5 =	vmmov vm8;
	v13 =	vmov s21;
	v32 =	vld [tilespmem:s26+$0x0]  }
0xcf: {  	vm10 =	vgt.f32 v31, v10;
	[tilespmem:s21+$0x0] =	vst.msk vm6, v31;
	v36 =	vld [tilespmem:s22+$0x0];
	v55 =	vmax.f32 v37, $0.0e+00;
	vm8 =	vmand vm12, vm11  }
0xd0: {  	v56 =	vmax.f32 v39, $0.0e+00;
	v42 =	vld [tilespmem:s25+$0x0];
	v13 =	vadd.s32 $0xFFFFFFFF, v13;
	[tilespmem:s21+$0x4E80] =	vst.msk vm6, v11;
	v35 =	vmpcnt.ones.xlane vm8  }
0xd1: {  	v11 =	vmax.f32 v43, $0.0e+00;
	vm10 =	vmand vm10, vm6;
	v25 =	vsel vm8, $0x1, v4;
	[tilespmem:s21+$0x9D00] =	vst.msk vm6, v33  }
0xd2: {  	v31 =	vsel vm10, v31, v10;
	v29 =	vmul.f32 v29, v11;
	v11 =	vld [tilespmem:s22+$0xFFFFFFF0];
	[tilespmem:s21+$0xEB80] =	vst.msk vm6, v30;
	(v2sf) =	vpush v35, $0x0  }
0xd3: {  	v13 =	vbroadcast v13, $0x0;
	v33 =	vmul.f32 v56, v55;
	[tilespmem:s21+$0x13A00] =	vst.msk vm6, v12;
	vm6 =	vgt.f32 v27, v31  }
0xd4: {  	v38 =	vld [tilespmem:s25+$0xFFFFFFF0];
	v30, _, _ =	vpop (xrf0);
	v57 =	vmin.f32 v5, v34;
	v59 =	vmin.f32 v5, v32;
	v44 =	vmax.f32 v8, v36  }
0xd5: {  	v35 =	vld [tilespmem:s24+$0x0];
	(xrf0) =	vadd.scan.msk.s32 $0xffff, v25;
	v49 =	vmax.f32 v7, v42;
	v13 =	vadd.s32 v30, v13;
	v43 =	vsub.f32 v59, v44;
	v12 =	vpop (erf)  }
0xd6: {  	v41 =	vsel vm10, v13, v9;
	vm10 =	vmand vm6, vm8;
	v30 =	vmul.f32 v33, v12;
	v12 =	vld [tilespmem:s24+$0xFFFFFFF0];
	s31 =	spop (v2sf)  }
0xd7: {  	v46 =	vsub.f32 v34, v11;
	v63 =	vmax.f32 v8, v11;
	v25 =	vsel vm10, v27, v31;
	s22 =	sadd.s32 $0x0, s31  }
0xd8: {  	v58 =	vpop (erf);
	v37 =	vsub.f32 v57, v63;
	vm6 =	vlt.f32 v30, $5.000000000e-01;
	v13 =	vmov s22  }
0xd9: {  	v31 =	vld [tilespmem:s23+$0xFFFFFFF0];
	v33 =	vmul.f32 v29, v58;
	vm6 =	vmand vm9, vm6;
	v13 =	vadd.s32 $0xFFFFFFFF, v13  }
0xda: {  	v29 =	vsub.f32 v32, v36;
	v60 =	vmpcnt.ones.xlane vm6;
	v13 =	vbroadcast v13, $0x0  }
0xdb: {  	v45 =	vsub.f32 v35, v42;
	v48 =	vmin.f32 v6, v35;
	v61, _, _ =	vpop (xrf0);
	v47 =	vsub.f32 v12, v38  }
0xdc: {  	p2 =	sgt.s32 s20, $0x6;
	v30 =	vmax.f32 v7, v38;
	(v2sf) =	vpush v60, $0x0;
	[tilespmem:s22+$0x0] =	vst.msk vm8, v27;
	v27 =	vadd.s32 v61, v13;
	v13 =	vld [tilespmem:s23+$0x0]  }
.Ltmp11:
0xdd: {  	v62 =	vsub.f32 v49, v48;
	vm11 =	vlt.f32 v33, $5.000000000e-01;
	v46 =	vmul.f32 v47, v46;
	[tilespmem:s22+$0x4E80] =	vst.msk vm8, v22;
	(pc) =	sbr.rel @!p2 .LBB2_26-.Ltmp11, $4  }
0xde: {  	v50 =	vmin.f32 v6, v12;
	vm9 =	vlt.f32 v31, $-Inf;
	[tilespmem:s22+$0x9D00] =	vst.msk vm8, v21;
	v21 =	vmul.f32 v45, v29  }
0xdf: {  	s25 =	simm.s32 $0x4EF0;
	s26 =	simm.s32 $0x70;
	v39 =	vsub.f32 v30, v50;
	v22 =	vsel vm6, $0x1, v4;
	(erf) = vrcp.f32 v46  }
0xe0: {  	s28 =	simm.s32 $0x13A70;
	s29 =	simm.s32 $0xEBF0;
	p1 =	por $0x1, $0x1;
	v29 =	vmax.f32 v62, $0.0e+00;
	(xrf0) =	vadd.scan.msk.s32 $0xffff, v22;
	[tilespmem:s22+$0xEB80] =	vst.msk vm8, v19;
	(erf) = vrcp.f32 v21  }
0xe1: {  	s24 =	simm.s32 $0x9D70;
	s23 =	simm.s32 $0x6;
	[tilespmem:s22+$0x13A00] =	vst.msk vm8, v18;
	s30 =	spop (v2sf);
	v41 =	vsel vm10, v27, v41;
	vm10 =	vgt.f32 v31, $-Inf;
	vm8 =	vlt.f32 v13, $-Inf  }
.LBB2_27:
0xe2: {  	vm9 =	vmor vm10, vm9  }
0xe3: {  	v18 =	vld [tilespmem:s29+$0xFFFFFFF0];
	s23 =	sadd.s32 $0x2, s23;
	vm10 =	vmor vm7, vm5;
	vm7 =	vgt.f32 v13, $-Inf;
	s22 =	sadd.s32 s22, s30;
	vm5 =	vmmov vm8  }
0xe4: {  	vm12 =	vgt.f32 v28, v25;
	v19 =	vld [tilespmem:s26+$0xFFFFFFF0];
	p2 =	slt.s32 s23, s20;
	[tilespmem:s22+$0x0] =	vst.msk vm6, v28;
	v21 =	vmov s22;
	vm8 =	vmand vm10, vm11  }
0xe5: {  	v22 =	vld [tilespmem:s29+$0x0];
	[tilespmem:s22+$0x4E80] =	vst.msk vm6, v23;
	v21 =	vadd.s32 $0xFFFFFFFF, v21;
	v27 =	vsel vm8, $0x1, v4;
	v30 =	vmpcnt.ones.xlane vm8;
	v23 =	vmovc v11  }
0xe6: {  	vm10 =	vmand vm12, vm6;
	v11 =	vmax.f32 v43, $0.0e+00;
	[tilespmem:s22+$0x9D00] =	vst.msk vm6, v20;
	v21 =	vbroadcast v21, $0x0;
	v20 =	vmovc v38;
	v38 =	vld [tilespmem:s24+$0xFFFFFFF0]  }
0xe7: {  	v37 =	vmax.f32 v37, $0.0e+00;
	v39 =	vmax.f32 v39, $0.0e+00;
	v33 =	vld [tilespmem:s25+$0x0];
	[tilespmem:s22+$0xEB80] =	vst.msk vm6, v24;
	v24, _, _ =	vpop (xrf0);
	(v2sf) =	vpush v30, $0x0  }
0xe8: {  	v37 =	vmul.f32 v39, v37;
	v25 =	vsel vm10, v28, v25;
	v30 =	vmin.f32 v5, v18;
	v43 =	vld [tilespmem:s28+$0x0];
	[tilespmem:s22+$0x13A00] =	vst.msk vm6, v26  }
0xe9: {  	v26 =	vmul.f32 v29, v11;
	v21 =	vadd.s32 v24, v21;
	vm6 =	vgt.f32 v40, v25;
	v44 =	vld [tilespmem:s24+$0x0];
	v28 =	vpop (erf)  }
0xea: {  	v21 =	vsel vm10, v21, v41;
	vm10 =	vmand vm6, vm8;
	v11 =	vld [tilespmem:s25+$0xFFFFFFF0];
	v37 =	vmul.f32 v37, v28;
	v24 =	vpop (erf);
	(xrf0) =	vadd.scan.msk.s32 $0xffff, v27  }
0xeb: {  	v45 =	vmin.f32 v5, v22;
	v25 =	vsel vm10, v40, v25;
	v27 =	vld [tilespmem:s28+$0xFFFFFFF0];
	v46 =	vmul.f32 v26, v24;
	s30 =	spop (v2sf);
	v24 =	vmovc v34  }
0xec: {  	v28 =	vmovc v31;
	v34 =	vmovc v18;
	v47 =	vmax.f32 v8, v33;
	v29 =	vsub.f32 v22, v33;
	vm6 =	vlt.f32 v37, $5.000000000e-01;
	s22 =	sadd.s32 s22, s30  }
0xed: {  	v31 =	vmovc v19;
	v18 =	vmax.f32 v7, v38;
	v26 =	vmovc v12;
	vm6 =	vmand vm9, vm6;
	[tilespmem:s22+$0x0] =	vst.msk vm8, v40;
	v37 =	vmov s22  }
0xee: {  	v12 =	vsub.f32 v43, v44;
	v19 =	vmpcnt.ones.xlane vm6;
	[tilespmem:s22+$0x4E80] =	vst.msk vm8, v15;
	v37 =	vadd.s32 $0xFFFFFFFF, v37;
	v15 =	vmovc v36;
	v36 =	vmovc v33  }
0xef: {  	v39 =	vmin.f32 v6, v43;
	v33 =	vsub.f32 v34, v11;
	[tilespmem:s22+$0x9D00] =	vst.msk vm8, v16;
	v37 =	vbroadcast v37, $0x0;
	v16 =	vmovc v42  }
0xf0: {  	v41 =	vmax.f32 v7, v44;
	v40 =	vsub.f32 v27, v38;
	(v2sf) =	vpush v19, $0x0;
	[tilespmem:s22+$0xEB80] =	vst.msk vm8, v14;
	v14, _, _ =	vpop (xrf0)  }
0xf1: {  	v49 =	vsel vm6, $0x1, v4;
	v19 =	vmin.f32 v6, v27;
	v48 =	vld [tilespmem:s26+$0x0];
	[tilespmem:s22+$0x13A00] =	vst.msk vm8, v17;
	v42 =	vadd.s32 v14, v37;
	v14 =	vmovc v32  }
.Ltmp12:
0xf2: {  	v37 =	vmax.f32 v8, v11;
	v32 =	vmovc v22;
	v33 =	vmul.f32 v40, v33;
	v40 =	vsub.f32 v41, v39;
	(pc) =	sbr.rel @p2 .LBB2_27-.Ltmp12, $4  }
0xf3: {  	v22 =	vmul.f32 v12, v29;
	v17 =	vmovc v35;
	v37 =	vsub.f32 v30, v37;
	v41 =	vsel vm10, v42, v21  }
0xf4: {  	v35 =	vmovc v43;
	v39 =	vsub.f32 v18, v19;
	v29 =	vmax.f32 v40, $0.0e+00;
	(erf) = vrcp.f32 v33;
	v42 =	vmovc v44  }
0xf5: {  	s24 =	sadd.s32 $0x20, s24;
	s25 =	sadd.s32 $0x20, s25;
	vm11 =	vlt.f32 v46, $5.000000000e-01;
	v43 =	vsub.f32 v45, v47;
	s26 =	sadd.s32 $0x20, s26;
	v12 =	vmovc v27;
	(erf) = vrcp.f32 v22;
	(xrf0) =	vadd.scan.msk.s32 $0xffff, v49  }
0xf6: {  	s29 =	sadd.s32 $0x20, s29;
	s28 =	sadd.s32 $0x20, s28;
	vm9 =	vlt.f32 v31, $-Inf;
	vm10 =	vgt.f32 v31, $-Inf;
	vm8 =	vlt.f32 v48, $-Inf;
	s30 =	spop (v2sf);
	v40 =	vmovc v13;
	v13 =	vmovc v48  }
0xf7: {  	v44 =	vmov v28  }
0xf8: {  	v45 =	vmovc v23;
	v46 =	vmovc v20;
	v33 =	vmov v38;
	v38 =	vmov v24;
	v47 =	vmov v26  }
0xf9: {  	v27 =	vmovc v40;
	v30 =	vmovc v34;
	v34 =	vmov v15;
	v22 =	vmov v36;
	v36 =	vmov v16  }
0xfa: {  	v21 =	vmovc v42;
	v42 =	vmovc v14;
	v48 =	vmov v17;
	v19 =	vmov v32;
	v18 =	vmov v35  }
.LBB2_29:
0xfb: {  	vm5 =	vmor @p0 vm7, vm5  }
0xfc: {  	v14 =	vmax.f32 v37, $0.0e+00;
	v15 =	vmax.f32 v39, $0.0e+00;
	vm11 =	vmand @p0 vm5, vm11  }
0xfd: {  	v14 =	vmul.f32 v15, v14;
	v16 =	vmpcnt.ones.xlane @p0 vm11  }
0xfe: {  	v54 =	vpop (erf)  }
0xff: {  	v14 =	vmul.f32 v14, v54;
	(v2sf) =	vpush @p0 v16, $0x0;
	_ =	sdelay $0x1  }
0x100: {  	vm5 =	vmor vm10, vm9;
	vm7 =	vlt.f32 v14, $5.000000000e-01  }
0x101: {  	v55 =	vmax.f32 v43, $0.0e+00;
	vm7 =	vmand vm5, vm7  }
0x102: {  	v14 =	vmul.f32 v29, v55;
	v56 =	vmpcnt.ones.xlane vm7  }
0x103: {  	v57 =	vpop (erf)  }
0x104: {  	v14 =	vmul.f32 v14, v57;
	(v2sf) =	vpush v56, $0x0  }
0x105: {  	s22 =	sadd.s32 @p1 s22, s30;
	vm8 =	vmmov vm8;
	s23 =	simm.s32 $0x0;
	vm5 =	vgt.f32 v13, $-Inf  }
0x106: {  	s23 =	smov.u32 @p1 s22;
	vm5 =	vmor vm5, vm8;
	vm15 =	vlt.f32 v14, $5.000000000e-01  }
0x107: {  	[tilespmem:s23+$0x0] =	vst.msk @p0 vm6, v44;
	vm5 =	vmand vm5, vm15  }
0x108: {  	[tilespmem:s23+$0x4E80] =	vst.msk @p0 vm6, v45;
	v58 =	vmpcnt.ones.xlane vm5  }
0x109: {  	[tilespmem:s23+$0x9D00] =	vst.msk @p0 vm6, v46  }
0x10a: {  	s22 =	spop @p0 (v2sf);
	[tilespmem:s23+$0xEB80] =	vst.msk @p0 vm6, v38;
	(v2sf) =	vpush v58, $0x0  }
0x10b: {  	s22 =	sadd.s32 @p0 s23, s22;
	[tilespmem:s23+$0x13A00] =	vst.msk @p0 vm6, v47  }
0x10c: {  	[tilespmem:s22+$0x0] =	vst.msk @p0 vm11, v27  }
0x10d: {  	v15 =	vsel @p0 vm11, $0x1, v4;
	vm8 =	vgt.f32 @p0 v44, v25;
	[tilespmem:s22+$0x4E80] =	vst.msk @p0 vm11, v34;
	v14 =	vmov @p0 s23;
	s23 =	spop @p0 (v2sf)  }
0x10e: {  	(xrf0) =	vadd.scan.msk.s32 @p0 $0xffff, v15;
	s24 =	smov.u32 @p0 s22;
	vm6 =	vmand @p0 vm8, vm6;
	[tilespmem:s22+$0x9D00] =	vst.msk @p0 vm11, v36;
	v14 =	vadd.s32 @p0 $0xFFFFFFFF, v14;
	s23 =	smov.u32 @p0 s23  }
0x10f: {  	v17 =	vsel vm7, $0x1, v4;
	v16 =	vsel @p0 vm6, v44, v25;
	[tilespmem:s22+$0xEB80] =	vst.msk @p0 vm11, v42;
	v14 =	vbroadcast @p0 v14, $0x0;
	s23 =	sadd.s32 @p0 s24, s23  }
0x110: {  	v15, _, _ =	vpop @p0 (xrf0);
	(xrf0) =	vadd.scan.msk.s32 $0xffff, v17;
	vm8 =	vgt.f32 @p0 v27, v16;
	[tilespmem:s22+$0x13A00] =	vst.msk @p0 vm11, v48;
	v59 =	vsel vm5, $0x1, v4;
	s21 =	smov.u32 @p0 s23  }
0x111: {  	vm8 =	vmand @p0 vm8, vm11;
	v14 =	vadd.s32 @p0 v15, v14;
	v15 =	vmov @p0 s22;
	[tilespmem:s21+$0x0] =	vst.msk vm7, v31  }
0x112: {  	(xrf0) =	vadd.scan.msk.s32 $0xffff, v59;
	v16 =	vsel @p0 vm8, v27, v16;
	v15 =	vadd.s32 @p0 $0xFFFFFFFF, v15;
	[tilespmem:s21+$0x4E80] =	vst.msk vm7, v11  }
0x113: {  	v10 =	vpsel p0, v16, v10;
	v15 =	vbroadcast @p0 v15, $0x0;
	s30 =	spop (v2sf);
	[tilespmem:s21+$0x9D00] =	vst.msk vm7, v33  }
0x114: {  	v14 =	vsel @p0 vm6, v14, v41;
	vm6 =	vgt.f32 v31, v10;
	v60 =	vmov s21;
	v11, _, _ =	vpop @p0 (xrf0);
	s22 =	sadd.s32 s21, s30;
	[tilespmem:s21+$0xEB80] =	vst.msk vm7, v30  }
0x115: {  	v11 =	vadd.s32 @p0 v11, v15;
	v15 =	vadd.s32 $0xFFFFFFFF, v60;
	v61 =	vmov s22;
	[tilespmem:s22+$0x0] =	vst.msk vm5, v13  }
.Ltmp13:
0x116: {  	vm6 =	vmand vm6, vm7;
	v15 =	vbroadcast v15, $0x0;
	[tilespmem:s21+$0x13A00] =	vst.msk vm7, v12;
	v12 =	vadd.s32 $0xFFFFFFFF, v61;
	(pc) =	sbr.rel .LBB2_11-.Ltmp13, $4  }
0x117: {  	v10 =	vsel vm6, v31, v10;
	v62, _, _ =	vpop (xrf0);
	v11 =	vsel @p0 vm8, v11, v14;
	[tilespmem:s22+$0x4E80] =	vst.msk vm5, v22;
	v12 =	vbroadcast v12, $0x0  }
0x118: {  	v63, _, _ =	vpop (xrf0);
	v9 =	vpsel p0, v11, v9;
	vm7 =	vgt.f32 v13, v10;
	v11 =	vadd.s32 v62, v15;
	[tilespmem:s22+$0x9D00] =	vst.msk vm5, v21  }
0x119: {  	s31 =	spop (v2sf);
	v11 =	vsel vm6, v11, v9;
	vm6 =	vmand vm7, vm5;
	[tilespmem:s22+$0xEB80] =	vst.msk vm5, v19;
	v12 =	vadd.s32 v63, v12  }
0x11a: {  	s21 =	sadd.s32 s22, s31;
	v9 =	vsel vm6, v13, v10;
	[tilespmem:s22+$0x13A00] =	vst.msk vm5, v18;
	v10 =	vsel vm6, v12, v11  }
.LBB2_22:
.Ltmp14:
0x11b: {  	(pc) =	sbr.rel .LBB2_29-.Ltmp14, $2  }
0x11c: {  	_ =	sdelay $0x2  }
0x11d: {  	v13 =	vmov v27;
	v25 =	vimm.f32 $-Inf;
	v41 =	vimm.s32 $0x7FFFFFFF  }
.LBB2_24:
.Ltmp15:
0x11e: {  	v44 =	vmov v31;
	(pc) =	sbr.rel .LBB2_29-.Ltmp15, $4  }
0x11f: {  	v45 =	vmovc v11;
	v46 =	vmovc v33;
	v38 =	vmov v30;
	v47 =	vmov v12;
	v34 =	vmov v22  }
0x120: {  	v36 =	vmovc v21;
	v42 =	vmovc v19;
	v48 =	vmov v18;
	v13 =	vmov v40;
	v25 =	vimm.f32 $-Inf  }
0x121: {  	v11 =	vmovc v23;
	v33 =	vmovc v20;
	v41 =	vimm.s32 $0x7FFFFFFF;
	v30 =	vmov v24;
	v31 =	vmov v28  }
0x122: {  	v12 =	vmovc v26;
	v22 =	vmovc v15;
	v21 =	vmov v16;
	v19 =	vmov v14;
	v18 =	vmov v17  }
.LBB2_26:
.Ltmp16:
0x123: {  	(pc) =	sbr.rel .LBB2_29-.Ltmp16, $4  }
0x124: {  	v44 =	vmov v28  }
0x125: {  	v45 =	vmovc v23;
	v46 =	vmovc v20;
	v33 =	vmov v38;
	v38 =	vmov v24;
	v47 =	vmov v26  }
0x126: {  	v27 =	vmovc v40;
	v30 =	vmovc v34;
	v34 =	vmov v15;
	v22 =	vmov v36;
	v36 =	vmov v16  }
0x127: {  	v21 =	vmovc v42;
	v42 =	vmovc v14;
	v48 =	vmov v17;
	v19 =	vmov v32;
	v18 =	vmov v35  }
.LBB2_12:
.Ltmp17:
0x128: {  	(pc) =	sbr.rel .LBB2_13-.Ltmp17, $2  }
0x129: {  	_ =	sdelay $0x2  }
0x12a: {  	s17 =	simm.s32 $0x50  }
.LBB2_18:
0x12b: {  	(xrf0) =	vmax.scan.msk.f32 $0xffff, v9;
	_ =	sdelay $0x5  }
0x12c: {  	v5, _, _ =	vpop (xrf0)  }
0x12d: {  	v6 =	vbroadcast v5, $0xF;
	_ =	sdelay $0x1  }
0x12e: {  	vm5 =	veq.f32 v9, v6;
	v6 =	vxor.u32 $0x80000000, v10  }
0x12f: {  	v6 =	vnsel vm5, $0xFFFFFFFF, v6  }
0x130: {  	(xrf0) =	vmin.scan.msk.u32 $0xffff, v6;
	_ =	sdelay $0x4  }
0x131: {  	(v2sf) =	vpush v5, $0xF  }
0x132: {  	v5, _, _ =	vpop (xrf0)  }
0x133: {  	(v2sf) =	vpush v5, $0xF;
	_ =	sdelay $0x9  }
0x134: {  	s17 =	sadd.s32 $0x1, s17  }
0x135: {  	p1 =	sne.s32 s17, $0x12C  }
.Ltmp18:
0x136: {  	_ = 	snop;
	(pc) =	sbr.rel @!p1 .LBB2_19-.Ltmp18, $4  }
0x137: {  	s18 =	spop (v2sf)  }
0x138: {  	p0 =	sgt.f32 s18, $-Inf  }
0x139: {  	s31 =	spop (v2sf)  }
0x13a: {  	s19 =	simm.s32 @!p0 $0x0;
	s20 =	sxor.u32 $0x80000000, s31  }
.LBB2_13:
0x13b: {  	p0 =	slt.s32 s20, $0x4E1F  }
0x13c: {  	s20 =	simm.s32 @!p0 $0x4E1F  }
0x13d: {  	v10 =	vmov s20;
	_ =	sdelay $0x4  }
0x13e: {  	s18 =	sshll.u32 s17, $0x2;
	s31 =	sadd.s32 $0xF, s19;
	v5 =	vld.idx.msk [tilespmem:v10+s13+$0x0], $0xffff  }
0x13f: {  	vm5 =	vmmov vm3;
	p0 =	sgt.s32 s19, $0x0;
	v9 =	vadd.s32 s18, v0;
	s18 =	sshra.s32 s31, $0x4;
	v6 =	vld.idx.msk [tilespmem:v10+s14+$0x0], $0xffff  }
0x140: {  	vm5 =	vmneg @p0 vm5;
	s20 =	sshrl.u32 s18, $0x1E;
	v7 =	vld.idx.msk [tilespmem:v10+s12+$0x0], $0xffff  }
0x141: {  	vm5 =	vmand vm5, vm4;
	s20 =	sadd.s32 s20, s18;
	v8 =	vld.idx.msk [tilespmem:v10+s11+$0x0], $0xffff  }
0x142: {  	s20 =	sand.u32 $0xFFFFFFFC, s20  }
0x143: {  	p0 =	slt.s32 s20, $0x1  }
.Ltmp19:
0x144: {  	v11 =	vsel vm0, v6, v5;
	(pc) =	sbr.rel @p0 .LBB2_14-.Ltmp19, $4  }
0x145: {  	v11 =	vsel vm1, v11, v7  }
0x146: {  	v11 =	vsel vm2, v8, v11  }
0x147: {  	[tilespmem:v9+s15+$0x0] =	vst.idx.msk vm5, v11;
	v9 =	vimm.f32 $-Inf  }
0x148: {  	[tilespmem:v10+s2+$0x0] =	vst.idx.msk $0x1, v9  }
0x149: {  	s26 =	simm.s32 $0x4EA0  }
0x14a: {  	s25 =	simm.s32 $0x9D20;
	v12 =	vld [tilespmem:s26+$0x10]  }
0x14b: {  	s23 =	simm.s32 $0xEBA0;
	v13 =	vld [tilespmem:s25+$0x10]  }
0x14c: {  	s24 =	simm.s32 $0x13A20;
	v16 =	vld [tilespmem:s23+$0x10]  }
0x14d: {  	v23 =	vld [tilespmem:s24+$0x10]  }
0x14e: {  	v25 =	vld [tilespmem:s26+$0x0]  }
0x14f: {  	v26 =	vld [tilespmem:s25+$0x0]  }
0x150: {  	v27 =	vld [tilespmem:s23+$0x0]  }
0x151: {  	v21 =	vld [tilespmem:s26+$0xFFFFFFF0]  }
0x152: {  	v28 =	vld [tilespmem:s25+$0xFFFFFFF0]  }
0x153: {  	v29 =	vld [tilespmem:s26+$0xFFFFFFE0]  }
0x154: {  	v30 =	vld [tilespmem:s25+$0xFFFFFFE0]  }
0x155: {  	v31 =	vld [tilespmem:s23+$0xFFFFFFE0]  }
0x156: {  	v32 =	vld [tilespmem:s24+$0xFFFFFFE0]  }
0x157: {  	v33 =	vld [tilespmem:s23+$0xFFFFFFF0]  }
0x158: {  	s22 =	simm.s32 $0x0;
	v34 =	vld [tilespmem:s24+$0xFFFFFFF0]  }
0x159: {  	v9 =	vimm.f32 $-Inf;
	v10 =	vimm.s32 $0x7FFFFFFF;
	v11 =	vor.u32 s22, v0;
	v35 =	vld [tilespmem:s24+$0x0]  }
0x15a: {  	v19 =	vmax.f32 v8, v12;
	v14 =	vmax.f32 v7, v13;
	v22 =	vmin.f32 v5, v16  }
0x15b: {  	v24 =	vsub.f32 v31, v29;
	v36 =	vsub.f32 v32, v30;
	v17 =	vmin.f32 v6, v23  }
0x15c: {  	v18 =	vmax.f32 v8, v25;
	v15 =	vmax.f32 v7, v26;
	v20 =	vmin.f32 v5, v27  }
0x15d: {  	v37 =	vsub.f32 v33, v21;
	v38 =	vsub.f32 v34, v28;
	v36 =	vmul.f32 v36, v24  }
0x15e: {  	v27 =	vsub.f32 v27, v25;
	v24 =	vmax.f32 v8, v21;
	v21 =	vmin.f32 v6, v35  }
0x15f: {  	p0 =	sgt.s32 s20, $0x4;
	v37 =	vmul.f32 v38, v37;
	v35 =	vsub.f32 v35, v26;
	(erf) = vrcp.f32 v36  }
.Ltmp20:
0x160: {  	s21 =	simm.s32 $0x20;
	v25 =	vmax.f32 v7, v28;
	v28 =	vsub.f32 v16, v12;
	v23 =	vsub.f32 v23, v13;
	(pc) =	sbr.rel @!p0 .LBB2_32-.Ltmp20, $4  }
0x161: {  	v12 =	vld [tilespmem:s21+$0x10];
	v29 =	vmax.f32 v8, v29;
	v63 =	vmul.f32 v35, v27;
	(erf) = vrcp.f32 v37  }
0x162: {  	v30 =	vmax.f32 v7, v30;
	v31 =	vmin.f32 v5, v31;
	v13 =	vld [tilespmem:s21+$0x0];
	v32 =	vmin.f32 v6, v32  }
0x163: {  	v16 =	vld [tilespmem:s21+$0xFFFFFFF0];
	v26 =	vmin.f32 v5, v33;
	v27 =	vmul.f32 v23, v28;
	(erf) = vrcp.f32 v63  }
0x164: {  	s28 =	simm.s32 $0x4EE0;
	s26 =	simm.s32 $0x4;
	v23 =	vld [tilespmem:s21+$0xFFFFFFE0];
	v28 =	vsub.f32 v31, v29;
	v29 =	vsub.f32 v30, v32;
	v30 =	vmin.f32 v6, v34  }
.LBB2_31:
0x165: {  	v31 =	vld [tilespmem:s28+$0x10];
	v24 =	vsub.f32 v26, v24;
	v19 =	vsub.f32 v22, v19;
	s25 =	sadd.s32 $0x40, s25;
	(erf) = vrcp.f32 v27  }
0x166: {  	v25 =	vsub.f32 v25, v30;
	s23 =	sadd.s32 $0x40, s23;
	v27 =	vld [tilespmem:s25+$0x10];
	v22 =	vmax.f32 v28, $0.0e+00;
	v26 =	vmax.f32 v29, $0.0e+00  }
0x167: {  	v18 =	vsub.f32 v20, v18;
	v14 =	vsub.f32 v14, v17;
	s24 =	sadd.s32 $0x40, s24;
	v28 =	vld [tilespmem:s23+$0x10];
	v22 =	vmul.f32 v26, v22  }
0x168: {  	v15 =	vsub.f32 v15, v21;
	v17 =	vmax.f32 v24, $0.0e+00;
	v24 =	vmax.f32 v25, $0.0e+00;
	v29 =	vld [tilespmem:s24+$0x10];
	v21 =	vpop (erf)  }
0x169: {  	v19 =	vmax.f32 v19, $0.0e+00;
	v17 =	vmul.f32 v24, v17;
	v25 =	vld [tilespmem:s28+$0x0];
	v21 =	vmul.f32 v22, v21  }
0x16a: {  	v18 =	vmax.f32 v18, $0.0e+00;
	v15 =	vmax.f32 v15, $0.0e+00;
	v14 =	vmax.f32 v14, $0.0e+00;
	v26 =	vld [tilespmem:s25+$0x0];
	v20 =	vpop (erf)  }
0x16b: {  	s29 =	sadd.s32 $0x10, s22;
	v15 =	vmul.f32 v15, v18;
	v30 =	vld [tilespmem:s23+$0x0];
	vm5 =	vlt.f32 v21, $5.000000000e-01;
	v17 =	vmul.f32 v17, v20  }
0x16c: {  	v14 =	vmul.f32 v14, v19;
	v20 =	vor.u32 s29, v0;
	v21 =	vld [tilespmem:s28+$0xFFFFFFF0];
	v18 =	vnsel vm5, $0xFF800000, v23;
	v19 =	vpop (erf)  }
0x16d: {  	v23 =	vld [tilespmem:s25+$0xFFFFFFF0];
	[tilespmem:s21+$0xFFFFFFE0] =	vst v18;
	vm5 =	vgt.f32 v18, v9;
	vm6 =	vlt.f32 v17, $5.000000000e-01;
	v15 =	vmul.f32 v15, v19  }
0x16e: {  	v32 =	vld [tilespmem:s28+$0xFFFFFFE0];
	v9 =	vsel vm5, v18, v9;
	v10 =	vsel vm5, v11, v10;
	v11 =	vnsel vm6, $0xFF800000, v16;
	v16 =	vpop (erf)  }
0x16f: {  	v33 =	vld [tilespmem:s25+$0xFFFFFFE0];
	[tilespmem:s21+$0xFFFFFFF0] =	vst v11;
	vm5 =	vgt.f32 v11, v9;
	vm6 =	vlt.f32 v15, $5.000000000e-01;
	v14 =	vmul.f32 v14, v16  }
0x170: {  	s29 =	sadd.s32 $0x20, s22;
	v16 =	vld [tilespmem:s23+$0xFFFFFFE0];
	v9 =	vsel vm5, v11, v9;
	v10 =	vsel vm5, v20, v10;
	v11 =	vnsel vm6, $0xFF800000, v13  }
0x171: {  	s26 =	sadd.s32 $0x4, s26;
	v13 =	vor.u32 s29, v0;
	v34 =	vld [tilespmem:s24+$0xFFFFFFE0];
	[tilespmem:s21+$0x0] =	vst v11;
	vm5 =	vgt.f32 v11, v9;
	vm6 =	vlt.f32 v14, $5.000000000e-01  }
0x172: {  	p0 =	slt.s32 s26, s20;
	s29 =	sadd.s32 $0x30, s22;
	v35 =	vld [tilespmem:s23+$0xFFFFFFF0];
	v9 =	vsel vm5, v11, v9;
	v10 =	vsel vm5, v13, v10;
	v12 =	vnsel vm6, $0xFF800000, v12  }
0x173: {  	s22 =	sadd.s32 $0x40, s22;
	v13 =	vor.u32 s29, v0;
	v36 =	vld [tilespmem:s24+$0xFFFFFFF0];
	[tilespmem:s21+$0x10] =	vst v12;
	vm5 =	vgt.f32 v12, v9  }
0x174: {  	v11 =	vor.u32 s22, v0;
	v37 =	vld [tilespmem:s24+$0x0];
	v9 =	vsel vm5, v12, v9;
	v10 =	vsel vm5, v13, v10  }
0x175: {  	v22 =	vmin.f32 v5, v28;
	v19 =	vmax.f32 v8, v31;
	v14 =	vmax.f32 v7, v27  }
0x176: {  	v17 =	vmin.f32 v6, v29;
	v12 =	vsub.f32 v16, v32;
	v13 =	vsub.f32 v34, v33  }
0x177: {  	v18 =	vmax.f32 v8, v25;
	v15 =	vmax.f32 v7, v26;
	v20 =	vmin.f32 v5, v30  }
0x178: {  	v12 =	vmul.f32 v13, v12;
	v13 =	vsub.f32 v35, v21;
	v38 =	vsub.f32 v36, v23  }
0x179: {  	v30 =	vsub.f32 v30, v25;
	v24 =	vmax.f32 v8, v21;
	v21 =	vmin.f32 v6, v37  }
0x17a: {  	v37 =	vsub.f32 v37, v26;
	v13 =	vmul.f32 v38, v13;
	(erf) = vrcp.f32 v12  }
.Ltmp21:
0x17b: {  	v25 =	vmax.f32 v7, v23;
	s21 =	sadd.s32 $0x40, s21;
	v23 =	vsub.f32 v28, v31;
	v26 =	vmin.f32 v5, v35;
	(pc) =	sbr.rel @p0 .LBB2_31-.Ltmp21, $4  }
0x17c: {  	v27 =	vsub.f32 v29, v27;
	v28 =	vmul.f32 v37, v30;
	v12 =	vld [tilespmem:s21+$0x10];
	(erf) = vrcp.f32 v13  }
0x17d: {  	v29 =	vmax.f32 v8, v32;
	v31 =	vmin.f32 v5, v16;
	v30 =	vmax.f32 v7, v33;
	v13 =	vld [tilespmem:s21+$0x0]  }
0x17e: {  	v32 =	vmin.f32 v6, v34;
	v27 =	vmul.f32 v27, v23;
	v16 =	vld [tilespmem:s21+$0xFFFFFFF0];
	(erf) = vrcp.f32 v28  }
0x17f: {  	s28 =	sadd.s32 $0x40, s28;
	v28 =	vsub.f32 v31, v29;
	v29 =	vsub.f32 v30, v32;
	v30 =	vmin.f32 v6, v36;
	v23 =	vld [tilespmem:s21+$0xFFFFFFE0]  }
.LBB2_32:
0x180: {  	v24 =	vsub.f32 v26, v24;
	v19 =	vsub.f32 v22, v19;
	(erf) = vrcp.f32 v27  }
0x181: {  	v25 =	vsub.f32 v25, v30;
	v54 =	vmax.f32 v28, $0.0e+00;
	v55 =	vmax.f32 v29, $0.0e+00  }
0x182: {  	v18 =	vsub.f32 v20, v18;
	v14 =	vsub.f32 v14, v17;
	v22 =	vmul.f32 v55, v54  }
0x183: {  	v15 =	vsub.f32 v15, v21;
	v56 =	vmax.f32 v24, $0.0e+00;
	v57 =	vmax.f32 v25, $0.0e+00;
	v58 =	vpop (erf)  }
0x184: {  	v19 =	vmax.f32 v19, $0.0e+00;
	v17 =	vmul.f32 v57, v56;
	v21 =	vmul.f32 v22, v58  }
0x185: {  	v18 =	vmax.f32 v18, $0.0e+00;
	v15 =	vmax.f32 v15, $0.0e+00;
	v14 =	vmax.f32 v14, $0.0e+00;
	v59 =	vpop (erf)  }
0x186: {  	v15 =	vmul.f32 v15, v18;
	vm5 =	vlt.f32 v21, $5.000000000e-01;
	v17 =	vmul.f32 v17, v59  }
0x187: {  	v14 =	vmul.f32 v14, v19;
	v60 =	vnsel vm5, $0xFF800000, v23;
	v61 =	vpop (erf)  }
0x188: {  	vm5 =	vgt.f32 v60, v9;
	vm6 =	vlt.f32 v17, $5.000000000e-01;
	v15 =	vmul.f32 v15, v61  }
0x189: {  	v9 =	vsel vm5, v60, v9;
	v10 =	vsel vm5, v11, v10;
	v11 =	vnsel vm6, $0xFF800000, v16;
	v62 =	vpop (erf)  }
0x18a: {  	s23 =	sadd.s32 $0x10, s22;
	vm5 =	vgt.f32 v11, v9;
	vm6 =	vlt.f32 v15, $5.000000000e-01;
	v14 =	vmul.f32 v14, v62  }
.Ltmp22:
0x18b: {  	v63 =	vor.u32 s23, v0;
	v9 =	vsel vm5, v11, v9;
	v13 =	vnsel vm6, $0xFF800000, v13;
	(pc) =	sbr.rel .LBB2_15-.Ltmp22, $4  }
0x18c: {  	s30 =	sadd.s32 $0x20, s22;
	[tilespmem:s21+$0xFFFFFFE0] =	vst v60;
	v10 =	vsel vm5, v63, v10;
	vm5 =	vgt.f32 v13, v9;
	vm6 =	vlt.f32 v14, $5.000000000e-01  }
0x18d: {  	s31 =	sadd.s32 $0x30, s22;
	[tilespmem:s21+$0xFFFFFFF0] =	vst v11;
	v11 =	vor.u32 s30, v0;
	v9 =	vsel vm5, v13, v9;
	v12 =	vnsel vm6, $0xFF800000, v12  }
0x18e: {  	[tilespmem:s21+$0x0] =	vst v13;
	v10 =	vsel vm5, v11, v10;
	v11 =	vor.u32 s31, v0;
	vm5 =	vgt.f32 v12, v9  }
0x18f: {  	[tilespmem:s21+$0x10] =	vst v12;
	v9 =	vsel vm5, v12, v9;
	v10 =	vsel vm5, v11, v10  }
.LBB2_14:
0x190: {  	v10 =	vimm.s32 $0x7FFFFFFF  }
.LBB2_15:
0x191: {  	s24 =	ssub.s32 s18, s20  }
0x192: {  	p0 =	slt.s32 s24, $0x1  }
.Ltmp23:
0x193: {  	_ = 	snop;
	(pc) =	sbr.rel @p0 .LBB2_18-.Ltmp23, $1  }
0x194: {  	_ =	sdelay $0x3  }
0x195: {  	s21 =	sshll.u32 s18, $0x6;
	s22 =	sshll.u32 s24, $0x6  }
0x196: {  	s21 =	ssub.s32 s21, s22  }
0x197: {  	s26 =	sshll.u32 s18, $0x4;
	s28 =	sshll.u32 s24, $0x4;
	s21 =	sshra.s32 s21, $0x2  }
0x198: {  	s26 =	ssub.s32 s26, s28;
	s22 =	sadd.s32 $0x4E80, s21  }
0x199: {  	s23 =	sadd.s32 $0x9D00, s21;
	s24 =	sadd.s32 $0xEB80, s21;
	s25 =	sadd.s32 $0x13A00, s21  }
.LBB2_17:
0x19a: {  	v11 =	vld [tilespmem:s22+$0x0]  }
0x19b: {  	v12 =	vld [tilespmem:s23+$0x0]  }
0x19c: {  	v13 =	vld [tilespmem:s24+$0x0]  }
0x19d: {  	v14 =	vld [tilespmem:s25+$0x0];
	_ =	sdelay $0x4  }
0x19e: {  	v15 =	vsub.f32 v13, v11;
	v16 =	vsub.f32 v14, v12;
	_ =	sdelay $0x1  }
0x19f: {  	v15 =	vmul.f32 v16, v15;
	_ =	sdelay $0x1  }
0x1a0: {  	(erf) = vrcp.f32 v15;
	_ =	sdelay $0x2  }
0x1a1: {  	v11 =	vmax.f32 v8, v11  }
0x1a2: {  	v12 =	vmax.f32 v7, v12;
	v13 =	vmin.f32 v5, v13;
	v14 =	vmin.f32 v6, v14  }
0x1a3: {  	v11 =	vsub.f32 v13, v11;
	v12 =	vsub.f32 v12, v14;
	_ =	sdelay $0x1  }
0x1a4: {  	v11 =	vmax.f32 v11, $0.0e+00;
	v12 =	vmax.f32 v12, $0.0e+00  }
0x1a5: {  	v61 =	vld [tilespmem:s21+$0x0];
	v11 =	vmul.f32 v12, v11  }
0x1a6: {  	s20 =	sadd.s32 $0x1, s20;
	v62 =	vpop (erf)  }
0x1a7: {  	p0 =	slt.s32 s20, s18;
	v11 =	vmul.f32 v11, v62  }
.Ltmp24:
0x1a8: {  	_ = 	snop;
	(pc) =	sbr.rel @p0 .LBB2_17-.Ltmp24, $4  }
0x1a9: {  	vm5 =	vlt.f32 v11, $5.000000000e-01  }
0x1aa: {  	v11 =	vnsel vm5, $0xFF800000, v61  }
0x1ab: {  	v63 =	vor.u32 s26, v0;
	s22 =	sadd.s32 $0x10, s22;
	s23 =	sadd.s32 $0x10, s23;
	s24 =	sadd.s32 $0x10, s24;
	vm5 =	vgt.f32 v11, v9  }
0x1ac: {  	s25 =	sadd.s32 $0x10, s25;
	s26 =	sadd.s32 $0x10, s26;
	[tilespmem:s21+$0x0] =	vst v11;
	s21 =	sadd.s32 $0x10, s21;
	v9 =	vsel vm5, v11, v9;
	v10 =	vsel vm5, v63, v10  }
.Ltmp25:
0x1ad: {  	_ = 	snop;
	(pc) =	sbr.rel .LBB2_18-.Ltmp25, $1  }
0x1ae: {  	_ =	sdelay $0x3  }
.LBB2_20:
0x1af: {  	_ =	sfence.sel $0x180000  }
0x1b0: {  	[bflag:$0x0] =	sbarrier.arrive $0xFFFF  }
0x1b1: {  	p0 =	sne.s32 s1, $0x0;
	_ =	strace $0x90000047  }
0x1b2: {  	s0 =	sadd.s32 @!p0 $0x100000, s0;
	[bflag:$0x2] =	sbarrier.arrive $0xFFFF  }
0x1b3: {  	[sflag:s0] =	ssyncadd.tile.s32 @!p0 $0x1;
	_ =	shalt  }
.Lfunc_end2:
_tile_overlayer_lowered:
.L_overlay_start_2:
0x1b4: {  	(tag) =	ssettag $0x2  }
0x1b5: {  	s0 =	rddreg [dreg:$0x0];
	s2 =	stileid.u32  }
0x1b6: {  	s1 =	rddreg [dreg:$0x1];
	p0 =	sne.s32 s2, $0x0  }
0x1b7: {  	s3 =	rddreg [dreg:$0x2];
	[bflag:$0x3] =	sbarrier.arrive $0xFFFF;
	s2 =	simm.s32 @!p0 $0x1C01  }
0x1b8: {  	[timem:s3], [sflag:s2] =	dma.local @!p0 [hbm:s0], s1  }
0x1b9: {  	s0 =	simm.s32 @!p0 $0x1  }
0x1ba: {  	_ =	swait.ge @!p0 [sflag:s0], s1  }
0x1bb: {  	s1 =	ssub.s32 @!p0 $0x0, s1;
	[sflag:s0] =	ssyncset.done @!p0 $0x0  }
0x1bc: {  	[sflag:s0] =	ssyncadd.s32 @!p0 s1  }
0x1bd: {  	[bflag:$0x3] =	sbarrier.arrive $0xFFFF  }
0x1be: {  	_ =	shalt  }

</sc_bundles>
